<compile_context>
chip_gen: v7x
topology: tpu7x:2x2x1
jax: 0.10.2.dev20260603
libtpu: 0.0.44.dev20260713+nightly
codegen_flags: <defaults>
</compile_context>

<pallas_src>
import functools

import jax
import jax.numpy as jnp
from jax import lax
from jax.experimental import pallas as pl
from jax.experimental.pallas import tpu as pltpu
from jax.experimental.pallas import tpu_sc as plsc

N = 10000
E = 320000
D = 128

NC = 2
NS = 16
L = 16

CHUNK = 128
CPT = 80
HALF = CPT // 2
EPT = CPT * CHUNK
E_PAD = NC * NS * EPT
N_PAD = 10240
ROWS_PT = N_PAD // NS


@functools.cache
def _make_sc_aggregate():
    mesh = plsc.VectorSubcoreMesh(
        core_axis_name="c", subcore_axis_name="s",
        num_cores=NC, num_subcores=NS,
    )
    return pl.kernel(
        _sc_aggregate_body,
        out_type=(
            jax.ShapeDtypeStruct((NC, N_PAD, D), jnp.float32),
            jax.ShapeDtypeStruct((NC, N_PAD), jnp.float32),
        ),
        mesh=mesh,
        scratch_types=[
            pltpu.VMEM((HALF, CHUNK), jnp.int32),
            pltpu.VMEM((HALF, CHUNK), jnp.int32),
            pltpu.VMEM((CHUNK, D), jnp.float32),
            pltpu.VMEM((CHUNK, D), jnp.float32),
            pltpu.VMEM((CHUNK,), jnp.float32),
            pltpu.VMEM((ROWS_PT,), jnp.float32),
            pltpu.VMEM_SHARED((N_PAD, D), jnp.float32),
            pltpu.VMEM_SHARED((N_PAD,), jnp.float32),
            pltpu.SemaphoreType.DMA,
            pltpu.SemaphoreType.DMA,
            pltpu.SemaphoreType.DMA,
            pltpu.SemaphoreType.DMA,
        ],
    )


def _sc_aggregate_body(x_hbm, src_hbm, dst_hbm, agg_out, cnt_out,
                       src_v, dst_v, rows_a, rows_b, ones_v, zcnt_v,
                       agg_sh, cnt_sh, sem_a, sem_b, sem_c, sem_d):
    c = lax.axis_index("c")
    s = lax.axis_index("s")
    w = c * NS + s

    pltpu.async_copy(src_hbm.at[w, pl.ds(0, HALF)], src_v, sem_d)
    pltpu.async_copy(dst_hbm.at[w, pl.ds(0, HALF)], dst_v, sem_d)

    zeros16 = jnp.zeros((L,), jnp.float32)
    ones16 = jnp.ones((L,), jnp.float32)

    for j in range(CHUNK // L):
        ones_v[pl.ds(j * L, L)] = ones16

    def _zero_row(i, _):
        for j in range(D // L):
            rows_a[i, pl.ds(j * L, L)] = zeros16
        return 0

    lax.fori_loop(0, CHUNK, _zero_row, 0)

    def _zero_cnt(i, _):
        zcnt_v[pl.ds(i * L, L)] = zeros16
        return 0

    lax.fori_loop(0, ROWS_PT // L, _zero_cnt, 0)

    base = s * ROWS_PT
    for k in range(ROWS_PT // CHUNK):
        pltpu.async_copy(rows_a, agg_sh.at[pl.ds(base + k * CHUNK, CHUNK)],
                         sem_a)
    pltpu.async_copy(zcnt_v, cnt_sh.at[pl.ds(base, ROWS_PT)], sem_a)
    for k in range(ROWS_PT // CHUNK):
        pltpu.make_async_copy(
            rows_a, agg_sh.at[pl.ds(base + k * CHUNK, CHUNK)], sem_a).wait()
    pltpu.make_async_copy(zcnt_v, cnt_sh.at[pl.ds(base, ROWS_PT)], sem_a).wait()
    plsc.subcore_barrier()

    for p in range(2):
        pltpu.make_async_copy(src_hbm.at[w, pl.ds(0, HALF)], src_v, sem_d).wait()
        pltpu.make_async_copy(dst_hbm.at[w, pl.ds(0, HALF)], dst_v, sem_d).wait()
        pltpu.async_copy(x_hbm.at[src_v.at[0]], rows_a, sem_a)

        def _cnt(i, _):
            pltpu.async_copy(ones_v, cnt_sh.at[dst_v.at[i]], sem_c, add=True)
            return 0

        lax.fori_loop(0, HALF, _cnt, 0)

        def _pair(i, _):
            j0 = 2 * i
            j1 = j0 + 1
            j2 = j0 + 2
            pltpu.async_copy(x_hbm.at[src_v.at[j1]], rows_b, sem_b)
            pltpu.make_async_copy(x_hbm.at[src_v.at[j0]], rows_a, sem_a).wait()
            pltpu.sync_copy(rows_a, agg_sh.at[dst_v.at[j0]], add=True)

            @pl.when(j2 < HALF)
            def _():
                pltpu.async_copy(x_hbm.at[src_v.at[j2]], rows_a, sem_a)

            pltpu.make_async_copy(x_hbm.at[src_v.at[j1]], rows_b, sem_b).wait()
            pltpu.sync_copy(rows_b, agg_sh.at[dst_v.at[j1]], add=True)
            return 0

        lax.fori_loop(0, HALF // 2, _pair, 0)

        def _drain(i, _):
            pltpu.make_async_copy(ones_v, cnt_sh.at[dst_v.at[i]], sem_c).wait()
            return 0

        lax.fori_loop(0, HALF, _drain, 0)

        if p == 0:
            pltpu.async_copy(src_hbm.at[w, pl.ds(HALF, HALF)], src_v, sem_d)
            pltpu.async_copy(dst_hbm.at[w, pl.ds(HALF, HALF)], dst_v, sem_d)
    plsc.subcore_barrier()

    pltpu.sync_copy(agg_sh.at[pl.ds(base, ROWS_PT)],
                    agg_out.at[c, pl.ds(base, ROWS_PT)])
    pltpu.sync_copy(cnt_sh.at[pl.ds(base, ROWS_PT)],
                    cnt_out.at[c, pl.ds(base, ROWS_PT)])


BLK = 2048


def _tc_finish_body(agg_ref, cnt_ref, x_ref, wl_ref, wr_ref, bl_ref,
                    lnw_ref, lnb_ref, o_ref):
    a = agg_ref[0] + agg_ref[1]
    c16 = cnt_ref[0] + cnt_ref[1]

    rows = lax.broadcasted_iota(jnp.int32, (BLK, BLK // D), 0)
    cols = lax.broadcasted_iota(jnp.int32, (BLK, BLK // D), 1)
    sel = (cols == rows // D).astype(jnp.float32)
    t = jnp.dot(sel, c16, preferred_element_type=jnp.float32)
    rmod = lax.broadcasted_iota(jnp.int32, (BLK, D), 0) % D
    lane = lax.broadcasted_iota(jnp.int32, (BLK, D), 1)
    cnt = jnp.sum(jnp.where(lane == rmod, t, 0.0), axis=1, keepdims=True)

    mean = a / jnp.clip(cnt, 1.0, None)
    dn = (((1,), (1,)), ((), ()))
    out = (lax.dot_general(mean, wl_ref[...], dn,
                           preferred_element_type=jnp.float32)
           + lax.dot_general(x_ref[...], wr_ref[...], dn,
                             preferred_element_type=jnp.float32)
           + bl_ref[...])
    mu = jnp.mean(out, axis=-1, keepdims=True)
    var = jnp.mean((out - mu) ** 2, axis=-1, keepdims=True)
    out = (out - mu) * lax.rsqrt(var + 1e-5) * lnw_ref[...] + lnb_ref[...]
    o_ref[...] = jnp.maximum(out, 0.0)


def _tc_finish(agg, cnt_resh, x, wl, wr, bl2, lnw2, lnb2):
    grid = N_PAD // BLK
    return pl.pallas_call(
        _tc_finish_body,
        grid=(grid,),
        in_specs=[
            pl.BlockSpec((NC, BLK, D), lambda i: (0, i, 0)),
            pl.BlockSpec((NC, BLK // D, D), lambda i: (0, i, 0)),
            pl.BlockSpec((BLK, D), lambda i: (i, 0)),
            pl.BlockSpec((D, D), lambda i: (0, 0)),
            pl.BlockSpec((D, D), lambda i: (0, 0)),
            pl.BlockSpec((1, D), lambda i: (0, 0)),
            pl.BlockSpec((1, D), lambda i: (0, 0)),
            pl.BlockSpec((1, D), lambda i: (0, 0)),
        ],
        out_specs=pl.BlockSpec((BLK, D), lambda i: (i, 0)),
        out_shape=jax.ShapeDtypeStruct((N, D), jnp.float32),
    )(agg, cnt_resh, x, wl, wr, bl2, lnw2, lnb2)


def kernel(x, edge_index, W_l, b_l, W_r, ln_w, ln_b):
    src = edge_index[0]
    dst = edge_index[1]
    pad = E_PAD - E
    pad_src = (jnp.arange(pad, dtype=jnp.int32) * 8) % N
    pad_dst = N + (jnp.arange(pad, dtype=jnp.int32) % (N_PAD - N))
    src_t = jnp.concatenate([src, pad_src]).reshape(NC * NS, CPT, CHUNK)
    dst_t = jnp.concatenate([dst, pad_dst]).reshape(NC * NS, CPT, CHUNK)

    agg, cnt = _make_sc_aggregate()(x, src_t, dst_t)

    cnt_resh = cnt.reshape(NC, N_PAD // D, D)
    return _tc_finish(agg, cnt_resh, x, W_l, W_r,
                      b_l.reshape(1, D), ln_w.reshape(1, D), ln_b.reshape(1, D))

# --- scband reference (transcript-rebuilt; emitter-appended) ---
"""Pipeline reference for scband-sageblock-35115652612241 (READ-ONLY COPY).

The authoritative reference and input builder live on the scoring server;
editing this copy changes nothing except your own understanding.
"""

import jax, jax.numpy as jnp
import numpy as np

N, E, D_IN, D_OUT = 10000, 320000, 128, 128


def setup_inputs(seed: int = 0) -> dict:
    key = jax.random.key(seed)
    ks = jax.random.split(key, 8)
    x = jax.random.normal(ks[0], (N, D_IN), dtype=jnp.float32)
    edge_index = jax.random.randint(ks[1], (2, E), 0, N, dtype=jnp.int32)
    scale = 1.0 / np.sqrt(D_IN)
    W_l = jax.random.uniform(ks[2], (D_OUT, D_IN), dtype=jnp.float32, minval=-scale, maxval=scale)
    b_l = jax.random.uniform(ks[3], (D_OUT,), dtype=jnp.float32, minval=-scale, maxval=scale)
    W_r = jax.random.uniform(ks[4], (D_OUT, D_IN), dtype=jnp.float32, minval=-scale, maxval=scale)
    ln_w = jnp.ones((D_OUT,), dtype=jnp.float32)
    ln_b = jnp.zeros((D_OUT,), dtype=jnp.float32)
    return {"x": x, "edge_index": edge_index, "W_l": W_l, "b_l": b_l, "W_r": W_r, "ln_w": ln_w, "ln_b": ln_b}


def reference(x, edge_index, W_l, b_l, W_r, ln_w, ln_b):
    # SAGEConv with mean aggregation: gather x at source nodes, segment-mean at dst nodes
    src = edge_index[0]
    dst = edge_index[1]
    msg = jnp.take(x, src, axis=0)                       # gather  [E, D_IN]
    agg = jax.ops.segment_sum(msg, dst, num_segments=N)  # scatter-add [N, D_IN]
    cnt = jax.ops.segment_sum(jnp.ones((msg.shape[0],), dtype=x.dtype), dst, num_segments=N)
    mean = agg / jnp.clip(cnt, 1.0, None)[:, None]
    # lin_l(mean) + lin_r(x)  (PyG SAGEConv: bias on lin_l only)
    out = mean @ W_l.T + b_l + x @ W_r.T
    # LayerNorm
    mu = jnp.mean(out, axis=-1, keepdims=True)
    var = jnp.var(out, axis=-1, keepdims=True)
    out = (out - mu) / jnp.sqrt(var + 1e-5) * ln_w + ln_b
    # ReLU (dropout is identity in eval mode)
    out = jnp.maximum(out, 0.0)
    return out

if __name__ == "__main__":
    import jax
    _d = setup_inputs()
    print(jax.jit(kernel)(*tuple(_d.values())))

</pallas_src>

<mosaic_0001>
#map = affine_map<(d0, d1) -> (0, 0)>
#map1 = affine_map<(d0, d1) -> (0, 0, 0)>
module attributes {stable_mosaic.version = 14 : i64} {
  func.func @_sc_aggregate_body(%arg0: i32, %arg1: i32, %arg2: memref<10000x128xf32, #tpu.memory_space<hbm>>, %arg3: memref<32x80x128xi32, #tpu.memory_space<hbm>>, %arg4: memref<32x80x128xi32, #tpu.memory_space<hbm>>, %arg5: memref<2x10240x128xf32, #tpu.memory_space<hbm>>, %arg6: memref<2x10240xf32, #tpu.memory_space<hbm>>, %arg7: memref<40x128xi32, #tpu.memory_space<vmem>>, %arg8: memref<40x128xi32, #tpu.memory_space<vmem>>, %arg9: memref<128x128xf32, #tpu.memory_space<vmem>>, %arg10: memref<128x128xf32, #tpu.memory_space<vmem>>, %arg11: memref<128xf32, #tpu.memory_space<vmem>>, %arg12: memref<640xf32, #tpu.memory_space<vmem>>, %arg13: memref<10240x128xf32, #tpu.memory_space<vmem_shared>>, %arg14: memref<10240xf32, #tpu.memory_space<vmem_shared>>, %arg15: memref<!tpu.dma_semaphore, #tpu.memory_space<semaphore_mem>>, %arg16: memref<!tpu.dma_semaphore, #tpu.memory_space<semaphore_mem>>, %arg17: memref<!tpu.dma_semaphore, #tpu.memory_space<semaphore_mem>>, %arg18: memref<!tpu.dma_semaphore, #tpu.memory_space<semaphore_mem>>) attributes {dimension_semantics = [#tpu.dimension_semantics<core_parallel>, #tpu.dimension_semantics<subcore_parallel>], iteration_bounds = array<i64: 2, 16>, scalar_prefetch = 0 : i64, scratch_operands = 12 : i64, tpu.core_type = #tpu.core_type<sc_vector_subcore>, window_params = [{transform_indices = #map}, {transform_indices = #map1}, {transform_indices = #map1}, {transform_indices = #map1}, {transform_indices = #map}]} {
    %mul3A = arith.constant 16 : i32
    %mul3A_0 = arith.muli %arg0, %mul3A : i32
    %add3A = arith.addi %mul3A_0, %arg1 : i32
    %dma_start3A = arith.constant 0 : i32
    %dma_start3A_1 = arith.constant 0 : i32
    %dma_start3A_2 = tpu.memref_slice %arg3[%add3A, %dma_start3A, %dma_start3A_1] : memref<32x80x128xi32, #tpu.memory_space<hbm>> -> memref<1x40x128xi32, #tpu.memory_space<hbm>>
    %dma_start3A_3 = tpu.memref_squeeze %dma_start3A_2 : memref<1x40x128xi32, #tpu.memory_space<hbm>> -> memref<40x128xi32, #tpu.memory_space<hbm>>
    %dma_start3A_4 = arith.constant 0 : i32
    %dma_start3A_5 = arith.constant 0 : i32
    %dma_start3A_6 = tpu.memref_slice %arg3[%add3A, %dma_start3A_4, %dma_start3A_5] : memref<32x80x128xi32, #tpu.memory_space<hbm>> -> memref<1x40x128xi32, #tpu.memory_space<hbm>>
    %dma_start3A_7 = tpu.memref_squeeze %dma_start3A_6 : memref<1x40x128xi32, #tpu.memory_space<hbm>> -> memref<40x128xi32, #tpu.memory_space<hbm>>
    tpu.enqueue_dma source(%dma_start3A_7 : memref<40x128xi32, #tpu.memory_space<hbm>>) target(%arg7 : memref<40x128xi32, #tpu.memory_space<vmem>>) target_semaphore(%arg18 : memref<!tpu.dma_semaphore, #tpu.memory_space<semaphore_mem>>)
    %dma_start3A_8 = arith.constant 0 : i32
    %dma_start3A_9 = arith.constant 0 : i32
    %dma_start3A_10 = tpu.memref_slice %arg4[%add3A, %dma_start3A_8, %dma_start3A_9] : memref<32x80x128xi32, #tpu.memory_space<hbm>> -> memref<1x40x128xi32, #tpu.memory_space<hbm>>
    %dma_start3A_11 = tpu.memref_squeeze %dma_start3A_10 : memref<1x40x128xi32, #tpu.memory_space<hbm>> -> memref<40x128xi32, #tpu.memory_space<hbm>>
    %dma_start3A_12 = arith.constant 0 : i32
    %dma_start3A_13 = arith.constant 0 : i32
    %dma_start3A_14 = tpu.memref_slice %arg4[%add3A, %dma_start3A_12, %dma_start3A_13] : memref<32x80x128xi32, #tpu.memory_space<hbm>> -> memref<1x40x128xi32, #tpu.memory_space<hbm>>
    %dma_start3A_15 = tpu.memref_squeeze %dma_start3A_14 : memref<1x40x128xi32, #tpu.memory_space<hbm>> -> memref<40x128xi32, #tpu.memory_space<hbm>>
    tpu.enqueue_dma source(%dma_start3A_15 : memref<40x128xi32, #tpu.memory_space<hbm>>) target(%arg8 : memref<40x128xi32, #tpu.memory_space<vmem>>) target_semaphore(%arg18 : memref<!tpu.dma_semaphore, #tpu.memory_space<semaphore_mem>>)
    %broadcast_in_dim3A = arith.constant 0.000000e+00 : f32
    %broadcast_in_dim3A_16 = vector.broadcast %broadcast_in_dim3A : f32 to vector<16xf32>
    %broadcast_in_dim3A_17 = arith.constant 1.000000e+00 : f32
    %broadcast_in_dim3A_18 = vector.broadcast %broadcast_in_dim3A_17 : f32 to vector<16xf32>
    %swap3A = arith.constant 0 : index
    %swap3A_19 = tpu.vector_load %arg11[%swap3A] {strides = array<i32>} : memref<128xf32, #tpu.memory_space<vmem>>, vector<16xf32>,
    %swap3A_20 = vector.shape_cast %swap3A_19 : vector<16xf32> to vector<16xf32>
    %swap3A_21 = vector.shape_cast %broadcast_in_dim3A_18 : vector<16xf32> to vector<16xf32>
    tpu.vector_store %arg11[%swap3A], %swap3A_21 {strides = array<i32>} : memref<128xf32, #tpu.memory_space<vmem>>, vector<16xf32>,
    %swap3A_22 = arith.constant 16 : index
    %swap3A_23 = tpu.vector_load %arg11[%swap3A_22] {strides = array<i32>} : memref<128xf32, #tpu.memory_space<vmem>>, vector<16xf32>,
    %swap3A_24 = vector.shape_cast %swap3A_23 : vector<16xf32> to vector<16xf32>
    %swap3A_25 = vector.shape_cast %broadcast_in_dim3A_18 : vector<16xf32> to vector<16xf32>
    tpu.vector_store %arg11[%swap3A_22], %swap3A_25 {strides = array<i32>} : memref<128xf32, #tpu.memory_space<vmem>>, vector<16xf32>,
    %swap3A_26 = arith.constant 32 : index
    %swap3A_27 = tpu.vector_load %arg11[%swap3A_26] {strides = array<i32>} : memref<128xf32, #tpu.memory_space<vmem>>, vector<16xf32>,
    %swap3A_28 = vector.shape_cast %swap3A_27 : vector<16xf32> to vector<16xf32>
    %swap3A_29 = vector.shape_cast %broadcast_in_dim3A_18 : vector<16xf32> to vector<16xf32>
    tpu.vector_store %arg11[%swap3A_26], %swap3A_29 {strides = array<i32>} : memref<128xf32, #tpu.memory_space<vmem>>, vector<16xf32>,
    %swap3A_30 = arith.constant 48 : index
    %swap3A_31 = tpu.vector_load %arg11[%swap3A_30] {strides = array<i32>} : memref<128xf32, #tpu.memory_space<vmem>>, vector<16xf32>,
    %swap3A_32 = vector.shape_cast %swap3A_31 : vector<16xf32> to vector<16xf32>
    %swap3A_33 = vector.shape_cast %broadcast_in_dim3A_18 : vector<16xf32> to vector<16xf32>
    tpu.vector_store %arg11[%swap3A_30], %swap3A_33 {strides = array<i32>} : memref<128xf32, #tpu.memory_space<vmem>>, vector<16xf32>,
    %swap3A_34 = arith.constant 64 : index
    %swap3A_35 = tpu.vector_load %arg11[%swap3A_34] {strides = array<i32>} : memref<128xf32, #tpu.memory_space<vmem>>, vector<16xf32>,
    %swap3A_36 = vector.shape_cast %swap3A_35 : vector<16xf32> to vector<16xf32>
    %swap3A_37 = vector.shape_cast %broadcast_in_dim3A_18 : vector<16xf32> to vector<16xf32>
    tpu.vector_store %arg11[%swap3A_34], %swap3A_37 {strides = array<i32>} : memref<128xf32, #tpu.memory_space<vmem>>, vector<16xf32>,
    %swap3A_38 = arith.constant 80 : index
    %swap3A_39 = tpu.vector_load %arg11[%swap3A_38] {strides = array<i32>} : memref<128xf32, #tpu.memory_space<vmem>>, vector<16xf32>,
    %swap3A_40 = vector.shape_cast %swap3A_39 : vector<16xf32> to vector<16xf32>
    %swap3A_41 = vector.shape_cast %broadcast_in_dim3A_18 : vector<16xf32> to vector<16xf32>
    tpu.vector_store %arg11[%swap3A_38], %swap3A_41 {strides = array<i32>} : memref<128xf32, #tpu.memory_space<vmem>>, vector<16xf32>,
    %swap3A_42 = arith.constant 96 : index
    %swap3A_43 = tpu.vector_load %arg11[%swap3A_42] {strides = array<i32>} : memref<128xf32, #tpu.memory_space<vmem>>, vector<16xf32>,
    %swap3A_44 = vector.shape_cast %swap3A_43 : vector<16xf32> to vector<16xf32>
    %swap3A_45 = vector.shape_cast %broadcast_in_dim3A_18 : vector<16xf32> to vector<16xf32>
    tpu.vector_store %arg11[%swap3A_42], %swap3A_45 {strides = array<i32>} : memref<128xf32, #tpu.memory_space<vmem>>, vector<16xf32>,
    %swap3A_46 = arith.constant 112 : index
    %swap3A_47 = tpu.vector_load %arg11[%swap3A_46] {strides = array<i32>} : memref<128xf32, #tpu.memory_space<vmem>>, vector<16xf32>,
    %swap3A_48 = vector.shape_cast %swap3A_47 : vector<16xf32> to vector<16xf32>
    %swap3A_49 = vector.shape_cast %broadcast_in_dim3A_18 : vector<16xf32> to vector<16xf32>
    tpu.vector_store %arg11[%swap3A_46], %swap3A_49 {strides = array<i32>} : memref<128xf32, #tpu.memory_space<vmem>>, vector<16xf32>,
    %scan3A = arith.constant 0 : i32
    %scan3A_50 = arith.constant 0 : i32
    %scan3A_51 = arith.constant 128 : i32
    %scan3A_52 = arith.addi %scan3A_50, %scan3A_51 : i32
    %scan3A_53 = arith.constant 1 : i32
    %scan3A_54 = scf.for %scan3A_233 = %scan3A_50 to %scan3A_52 step %scan3A_53 iter_args(%scan3A_234 = %scan3A) -> (i32)  : i32 {
      %swap3A_235 = arith.index_cast %scan3A_233 : i32 to index
      %swap3A_236 = arith.constant 0 : index
      %swap3A_237 = tpu.vector_load %arg9[%swap3A_235, %swap3A_236] {strides = array<i32>} : memref<128x128xf32, #tpu.memory_space<vmem>>, vector<1x16xf32>,
      %swap3A_238 = vector.shape_cast %swap3A_237 : vector<1x16xf32> to vector<16xf32>
      %swap3A_239 = vector.shape_cast %broadcast_in_dim3A_16 : vector<16xf32> to vector<1x16xf32>
      tpu.vector_store %arg9[%swap3A_235, %swap3A_236], %swap3A_239 {strides = array<i32>} : memref<128x128xf32, #tpu.memory_space<vmem>>, vector<1x16xf32>,
      %swap3A_240 = arith.index_cast %scan3A_233 : i32 to index
      %swap3A_241 = arith.constant 16 : index
      %swap3A_242 = tpu.vector_load %arg9[%swap3A_240, %swap3A_241] {strides = array<i32>} : memref<128x128xf32, #tpu.memory_space<vmem>>, vector<1x16xf32>,
      %swap3A_243 = vector.shape_cast %swap3A_242 : vector<1x16xf32> to vector<16xf32>
      %swap3A_244 = vector.shape_cast %broadcast_in_dim3A_16 : vector<16xf32> to vector<1x16xf32>
      tpu.vector_store %arg9[%swap3A_240, %swap3A_241], %swap3A_244 {strides = array<i32>} : memref<128x128xf32, #tpu.memory_space<vmem>>, vector<1x16xf32>,
      %swap3A_245 = arith.index_cast %scan3A_233 : i32 to index
      %swap3A_246 = arith.constant 32 : index
      %swap3A_247 = tpu.vector_load %arg9[%swap3A_245, %swap3A_246] {strides = array<i32>} : memref<128x128xf32, #tpu.memory_space<vmem>>, vector<1x16xf32>,
      %swap3A_248 = vector.shape_cast %swap3A_247 : vector<1x16xf32> to vector<16xf32>
      %swap3A_249 = vector.shape_cast %broadcast_in_dim3A_16 : vector<16xf32> to vector<1x16xf32>
      tpu.vector_store %arg9[%swap3A_245, %swap3A_246], %swap3A_249 {strides = array<i32>} : memref<128x128xf32, #tpu.memory_space<vmem>>, vector<1x16xf32>,
      %swap3A_250 = arith.index_cast %scan3A_233 : i32 to index
      %swap3A_251 = arith.constant 48 : index
      %swap3A_252 = tpu.vector_load %arg9[%swap3A_250, %swap3A_251] {strides = array<i32>} : memref<128x128xf32, #tpu.memory_space<vmem>>, vector<1x16xf32>,
      %swap3A_253 = vector.shape_cast %swap3A_252 : vector<1x16xf32> to vector<16xf32>
      %swap3A_254 = vector.shape_cast %broadcast_in_dim3A_16 : vector<16xf32> to vector<1x16xf32>
      tpu.vector_store %arg9[%swap3A_250, %swap3A_251], %swap3A_254 {strides = array<i32>} : memref<128x128xf32, #tpu.memory_space<vmem>>, vector<1x16xf32>,
      %swap3A_255 = arith.index_cast %scan3A_233 : i32 to index
      %swap3A_256 = arith.constant 64 : index
      %swap3A_257 = tpu.vector_load %arg9[%swap3A_255, %swap3A_256] {strides = array<i32>} : memref<128x128xf32, #tpu.memory_space<vmem>>, vector<1x16xf32>,
      %swap3A_258 = vector.shape_cast %swap3A_257 : vector<1x16xf32> to vector<16xf32>
      %swap3A_259 = vector.shape_cast %broadcast_in_dim3A_16 : vector<16xf32> to vector<1x16xf32>
      tpu.vector_store %arg9[%swap3A_255, %swap3A_256], %swap3A_259 {strides = array<i32>} : memref<128x128xf32, #tpu.memory_space<vmem>>, vector<1x16xf32>,
      %swap3A_260 = arith.index_cast %scan3A_233 : i32 to index
      %swap3A_261 = arith.constant 80 : index
      %swap3A_262 = tpu.vector_load %arg9[%swap3A_260, %swap3A_261] {strides = array<i32>} : memref<128x128xf32, #tpu.memory_space<vmem>>, vector<1x16xf32>,
      %swap3A_263 = vector.shape_cast %swap3A_262 : vector<1x16xf32> to vector<16xf32>
      %swap3A_264 = vector.shape_cast %broadcast_in_dim3A_16 : vector<16xf32> to vector<1x16xf32>
      tpu.vector_store %arg9[%swap3A_260, %swap3A_261], %swap3A_264 {strides = array<i32>} : memref<128x128xf32, #tpu.memory_space<vmem>>, vector<1x16xf32>,
      %swap3A_265 = arith.index_cast %scan3A_233 : i32 to index
      %swap3A_266 = arith.constant 96 : index
      %swap3A_267 = tpu.vector_load %arg9[%swap3A_265, %swap3A_266] {strides = array<i32>} : memref<128x128xf32, #tpu.memory_space<vmem>>, vector<1x16xf32>,
      %swap3A_268 = vector.shape_cast %swap3A_267 : vector<1x16xf32> to vector<16xf32>
      %swap3A_269 = vector.shape_cast %broadcast_in_dim3A_16 : vector<16xf32> to vector<1x16xf32>
      tpu.vector_store %arg9[%swap3A_265, %swap3A_266], %swap3A_269 {strides = array<i32>} : memref<128x128xf32, #tpu.memory_space<vmem>>, vector<1x16xf32>,
      %swap3A_270 = arith.index_cast %scan3A_233 : i32 to index
      %swap3A_271 = arith.constant 112 : index
      %swap3A_272 = tpu.vector_load %arg9[%swap3A_270, %swap3A_271] {strides = array<i32>} : memref<128x128xf32, #tpu.memory_space<vmem>>, vector<1x16xf32>,
      %swap3A_273 = vector.shape_cast %swap3A_272 : vector<1x16xf32> to vector<16xf32>
      %swap3A_274 = vector.shape_cast %broadcast_in_dim3A_16 : vector<16xf32> to vector<1x16xf32>
      tpu.vector_store %arg9[%swap3A_270, %swap3A_271], %swap3A_274 {strides = array<i32>} : memref<128x128xf32, #tpu.memory_space<vmem>>, vector<1x16xf32>,
      %scan3A_275 = arith.constant 0 : i32
      scf.yield %scan3A_275 : i32
    }
    %scan3A_55 = arith.constant 128 : i32
    %scan3A_56 = arith.constant 0 : i32
    %scan3A_57 = arith.constant 0 : i32
    %scan3A_58 = arith.constant 40 : i32
    %scan3A_59 = arith.addi %scan3A_57, %scan3A_58 : i32
    %scan3A_60 = arith.constant 1 : i32
    %scan3A_61 = scf.for %scan3A_233 = %scan3A_57 to %scan3A_59 step %scan3A_60 iter_args(%scan3A_234 = %scan3A_56) -> (i32)  : i32 {
      %mul3A_235 = arith.constant 16 : i32
      %mul3A_236 = arith.muli %scan3A_233, %mul3A_235 : i32
      %swap3A_237 = arith.index_cast %mul3A_236 : i32 to index
      %swap3A_238 = tpu.vector_load %arg12[%swap3A_237] {strides = array<i32>} : memref<640xf32, #tpu.memory_space<vmem>>, vector<16xf32>,
      %swap3A_239 = vector.shape_cast %swap3A_238 : vector<16xf32> to vector<16xf32>
      %swap3A_240 = vector.shape_cast %broadcast_in_dim3A_16 : vector<16xf32> to vector<16xf32>
      tpu.vector_store %arg12[%swap3A_237], %swap3A_240 {strides = array<i32>} : memref<640xf32, #tpu.memory_space<vmem>>, vector<16xf32>,
      %scan3A_241 = arith.constant 0 : i32
      scf.yield %scan3A_241 : i32
    }
    %scan3A_62 = arith.constant 40 : i32
    %mul3A_63 = arith.constant 640 : i32
    %mul3A_64 = arith.muli %arg1, %mul3A_63 : i32
    %add3A_65 = arith.constant 0 : i32
    %add3A_66 = arith.addi %mul3A_64, %add3A_65 : i32
    %dma_start3A_67 = arith.constant 0 : i32
    %dma_start3A_68 = tpu.memref_slice %arg13[%add3A_66, %dma_start3A_67] : memref<10240x128xf32, #tpu.memory_space<vmem_shared>> -> memref<128x128xf32, #tpu.memory_space<vmem_shared>>
    %dma_start3A_69 = arith.constant 0 : i32
    %dma_start3A_70 = tpu.memref_slice %arg13[%add3A_66, %dma_start3A_69] : memref<10240x128xf32, #tpu.memory_space<vmem_shared>> -> memref<128x128xf32, #tpu.memory_space<vmem_shared>>
    tpu.enqueue_dma source(%arg9 : memref<128x128xf32, #tpu.memory_space<vmem>>) target(%dma_start3A_70 : memref<128x128xf32, #tpu.memory_space<vmem_shared>>) target_semaphore(%arg15 : memref<!tpu.dma_semaphore, #tpu.memory_space<semaphore_mem>>)
    %add3A_71 = arith.constant 128 : i32
    %add3A_72 = arith.addi %mul3A_64, %add3A_71 : i32
    %dma_start3A_73 = arith.constant 0 : i32
    %dma_start3A_74 = tpu.memref_slice %arg13[%add3A_72, %dma_start3A_73] : memref<10240x128xf32, #tpu.memory_space<vmem_shared>> -> memref<128x128xf32, #tpu.memory_space<vmem_shared>>
    %dma_start3A_75 = arith.constant 0 : i32
    %dma_start3A_76 = tpu.memref_slice %arg13[%add3A_72, %dma_start3A_75] : memref<10240x128xf32, #tpu.memory_space<vmem_shared>> -> memref<128x128xf32, #tpu.memory_space<vmem_shared>>
    tpu.enqueue_dma source(%arg9 : memref<128x128xf32, #tpu.memory_space<vmem>>) target(%dma_start3A_76 : memref<128x128xf32, #tpu.memory_space<vmem_shared>>) target_semaphore(%arg15 : memref<!tpu.dma_semaphore, #tpu.memory_space<semaphore_mem>>)
    %add3A_77 = arith.constant 256 : i32
    %add3A_78 = arith.addi %mul3A_64, %add3A_77 : i32
    %dma_start3A_79 = arith.constant 0 : i32
    %dma_start3A_80 = tpu.memref_slice %arg13[%add3A_78, %dma_start3A_79] : memref<10240x128xf32, #tpu.memory_space<vmem_shared>> -> memref<128x128xf32, #tpu.memory_space<vmem_shared>>
    %dma_start3A_81 = arith.constant 0 : i32
    %dma_start3A_82 = tpu.memref_slice %arg13[%add3A_78, %dma_start3A_81] : memref<10240x128xf32, #tpu.memory_space<vmem_shared>> -> memref<128x128xf32, #tpu.memory_space<vmem_shared>>
    tpu.enqueue_dma source(%arg9 : memref<128x128xf32, #tpu.memory_space<vmem>>) target(%dma_start3A_82 : memref<128x128xf32, #tpu.memory_space<vmem_shared>>) target_semaphore(%arg15 : memref<!tpu.dma_semaphore, #tpu.memory_space<semaphore_mem>>)
    %add3A_83 = arith.constant 384 : i32
    %add3A_84 = arith.addi %mul3A_64, %add3A_83 : i32
    %dma_start3A_85 = arith.constant 0 : i32
    %dma_start3A_86 = tpu.memref_slice %arg13[%add3A_84, %dma_start3A_85] : memref<10240x128xf32, #tpu.memory_space<vmem_shared>> -> memref<128x128xf32, #tpu.memory_space<vmem_shared>>
    %dma_start3A_87 = arith.constant 0 : i32
    %dma_start3A_88 = tpu.memref_slice %arg13[%add3A_84, %dma_start3A_87] : memref<10240x128xf32, #tpu.memory_space<vmem_shared>> -> memref<128x128xf32, #tpu.memory_space<vmem_shared>>
    tpu.enqueue_dma source(%arg9 : memref<128x128xf32, #tpu.memory_space<vmem>>) target(%dma_start3A_88 : memref<128x128xf32, #tpu.memory_space<vmem_shared>>) target_semaphore(%arg15 : memref<!tpu.dma_semaphore, #tpu.memory_space<semaphore_mem>>)
    %add3A_89 = arith.constant 512 : i32
    %add3A_90 = arith.addi %mul3A_64, %add3A_89 : i32
    %dma_start3A_91 = arith.constant 0 : i32
    %dma_start3A_92 = tpu.memref_slice %arg13[%add3A_90, %dma_start3A_91] : memref<10240x128xf32, #tpu.memory_space<vmem_shared>> -> memref<128x128xf32, #tpu.memory_space<vmem_shared>>
    %dma_start3A_93 = arith.constant 0 : i32
    %dma_start3A_94 = tpu.memref_slice %arg13[%add3A_90, %dma_start3A_93] : memref<10240x128xf32, #tpu.memory_space<vmem_shared>> -> memref<128x128xf32, #tpu.memory_space<vmem_shared>>
    tpu.enqueue_dma source(%arg9 : memref<128x128xf32, #tpu.memory_space<vmem>>) target(%dma_start3A_94 : memref<128x128xf32, #tpu.memory_space<vmem_shared>>) target_semaphore(%arg15 : memref<!tpu.dma_semaphore, #tpu.memory_space<semaphore_mem>>)
    %dma_start3A_95 = tpu.memref_slice %arg14[%mul3A_64] : memref<10240xf32, #tpu.memory_space<vmem_shared>> -> memref<640xf32, #tpu.memory_space<vmem_shared>>
    %dma_start3A_96 = tpu.memref_slice %arg14[%mul3A_64] : memref<10240xf32, #tpu.memory_space<vmem_shared>> -> memref<640xf32, #tpu.memory_space<vmem_shared>>
    tpu.enqueue_dma source(%arg12 : memref<640xf32, #tpu.memory_space<vmem>>) target(%dma_start3A_96 : memref<640xf32, #tpu.memory_space<vmem_shared>>) target_semaphore(%arg15 : memref<!tpu.dma_semaphore, #tpu.memory_space<semaphore_mem>>)
    %add3A_97 = arith.constant 0 : i32
    %add3A_98 = arith.addi %mul3A_64, %add3A_97 : i32
    %dma_wait3A = arith.constant 0 : i32
    %dma_wait3A_99 = tpu.memref_slice %arg13[%add3A_98, %dma_wait3A] : memref<10240x128xf32, #tpu.memory_space<vmem_shared>> -> memref<128x128xf32, #tpu.memory_space<vmem_shared>>
    %dma_wait3A_100 = arith.constant 0 : i32
    %dma_wait3A_101 = tpu.memref_slice %arg13[%add3A_98, %dma_wait3A_100] : memref<10240x128xf32, #tpu.memory_space<vmem_shared>> -> memref<128x128xf32, #tpu.memory_space<vmem_shared>>
    tpu.wait_dma2 semaphore(%arg15 : memref<!tpu.dma_semaphore, #tpu.memory_space<semaphore_mem>>) src(%arg9 : memref<128x128xf32, #tpu.memory_space<vmem>>) dst(%dma_wait3A_101 : memref<128x128xf32, #tpu.memory_space<vmem_shared>>)
    %add3A_102 = arith.constant 128 : i32
    %add3A_103 = arith.addi %mul3A_64, %add3A_102 : i32
    %dma_wait3A_104 = arith.constant 0 : i32
    %dma_wait3A_105 = tpu.memref_slice %arg13[%add3A_103, %dma_wait3A_104] : memref<10240x128xf32, #tpu.memory_space<vmem_shared>> -> memref<128x128xf32, #tpu.memory_space<vmem_shared>>
    %dma_wait3A_106 = arith.constant 0 : i32
    %dma_wait3A_107 = tpu.memref_slice %arg13[%add3A_103, %dma_wait3A_106] : memref<10240x128xf32, #tpu.memory_space<vmem_shared>> -> memref<128x128xf32, #tpu.memory_space<vmem_shared>>
    tpu.wait_dma2 semaphore(%arg15 : memref<!tpu.dma_semaphore, #tpu.memory_space<semaphore_mem>>) src(%arg9 : memref<128x128xf32, #tpu.memory_space<vmem>>) dst(%dma_wait3A_107 : memref<128x128xf32, #tpu.memory_space<vmem_shared>>)
    %add3A_108 = arith.constant 256 : i32
    %add3A_109 = arith.addi %mul3A_64, %add3A_108 : i32
    %dma_wait3A_110 = arith.constant 0 : i32
    %dma_wait3A_111 = tpu.memref_slice %arg13[%add3A_109, %dma_wait3A_110] : memref<10240x128xf32, #tpu.memory_space<vmem_shared>> -> memref<128x128xf32, #tpu.memory_space<vmem_shared>>
    %dma_wait3A_112 = arith.constant 0 : i32
    %dma_wait3A_113 = tpu.memref_slice %arg13[%add3A_109, %dma_wait3A_112] : memref<10240x128xf32, #tpu.memory_space<vmem_shared>> -> memref<128x128xf32, #tpu.memory_space<vmem_shared>>
    tpu.wait_dma2 semaphore(%arg15 : memref<!tpu.dma_semaphore, #tpu.memory_space<semaphore_mem>>) src(%arg9 : memref<128x128xf32, #tpu.memory_space<vmem>>) dst(%dma_wait3A_113 : memref<128x128xf32, #tpu.memory_space<vmem_shared>>)
    %add3A_114 = arith.constant 384 : i32
    %add3A_115 = arith.addi %mul3A_64, %add3A_114 : i32
    %dma_wait3A_116 = arith.constant 0 : i32
    %dma_wait3A_117 = tpu.memref_slice %arg13[%add3A_115, %dma_wait3A_116] : memref<10240x128xf32, #tpu.memory_space<vmem_shared>> -> memref<128x128xf32, #tpu.memory_space<vmem_shared>>
    %dma_wait3A_118 = arith.constant 0 : i32
    %dma_wait3A_119 = tpu.memref_slice %arg13[%add3A_115, %dma_wait3A_118] : memref<10240x128xf32, #tpu.memory_space<vmem_shared>> -> memref<128x128xf32, #tpu.memory_space<vmem_shared>>
    tpu.wait_dma2 semaphore(%arg15 : memref<!tpu.dma_semaphore, #tpu.memory_space<semaphore_mem>>) src(%arg9 : memref<128x128xf32, #tpu.memory_space<vmem>>) dst(%dma_wait3A_119 : memref<128x128xf32, #tpu.memory_space<vmem_shared>>)
    %add3A_120 = arith.constant 512 : i32
    %add3A_121 = arith.addi %mul3A_64, %add3A_120 : i32
    %dma_wait3A_122 = arith.constant 0 : i32
    %dma_wait3A_123 = tpu.memref_slice %arg13[%add3A_121, %dma_wait3A_122] : memref<10240x128xf32, #tpu.memory_space<vmem_shared>> -> memref<128x128xf32, #tpu.memory_space<vmem_shared>>
    %dma_wait3A_124 = arith.constant 0 : i32
    %dma_wait3A_125 = tpu.memref_slice %arg13[%add3A_121, %dma_wait3A_124] : memref<10240x128xf32, #tpu.memory_space<vmem_shared>> -> memref<128x128xf32, #tpu.memory_space<vmem_shared>>
    tpu.wait_dma2 semaphore(%arg15 : memref<!tpu.dma_semaphore, #tpu.memory_space<semaphore_mem>>) src(%arg9 : memref<128x128xf32, #tpu.memory_space<vmem>>) dst(%dma_wait3A_125 : memref<128x128xf32, #tpu.memory_space<vmem_shared>>)
    %dma_wait3A_126 = tpu.memref_slice %arg14[%mul3A_64] : memref<10240xf32, #tpu.memory_space<vmem_shared>> -> memref<640xf32, #tpu.memory_space<vmem_shared>>
    %dma_wait3A_127 = tpu.memref_slice %arg14[%mul3A_64] : memref<10240xf32, #tpu.memory_space<vmem_shared>> -> memref<640xf32, #tpu.memory_space<vmem_shared>>
    tpu.wait_dma2 semaphore(%arg15 : memref<!tpu.dma_semaphore, #tpu.memory_space<semaphore_mem>>) src(%arg12 : memref<640xf32, #tpu.memory_space<vmem>>) dst(%dma_wait3A_127 : memref<640xf32, #tpu.memory_space<vmem_shared>>)
    %barrier3A = arith.constant 0 : index
    tpu.barrier barrier_id(%barrier3A)
    %dma_wait3A_128 = arith.constant 0 : i32
    %dma_wait3A_129 = arith.constant 0 : i32
    %dma_wait3A_130 = tpu.memref_slice %arg3[%add3A, %dma_wait3A_128, %dma_wait3A_129] : memref<32x80x128xi32, #tpu.memory_space<hbm>> -> memref<1x40x128xi32, #tpu.memory_space<hbm>>
    %dma_wait3A_131 = tpu.memref_squeeze %dma_wait3A_130 : memref<1x40x128xi32, #tpu.memory_space<hbm>> -> memref<40x128xi32, #tpu.memory_space<hbm>>
    %dma_wait3A_132 = arith.constant 0 : i32
    %dma_wait3A_133 = arith.constant 0 : i32
    %dma_wait3A_134 = tpu.memref_slice %arg3[%add3A, %dma_wait3A_132, %dma_wait3A_133] : memref<32x80x128xi32, #tpu.memory_space<hbm>> -> memref<1x40x128xi32, #tpu.memory_space<hbm>>
    %dma_wait3A_135 = tpu.memref_squeeze %dma_wait3A_134 : memref<1x40x128xi32, #tpu.memory_space<hbm>> -> memref<40x128xi32, #tpu.memory_space<hbm>>
    tpu.wait_dma2 semaphore(%arg18 : memref<!tpu.dma_semaphore, #tpu.memory_space<semaphore_mem>>) src(%dma_wait3A_135 : memref<40x128xi32, #tpu.memory_space<hbm>>) dst(%arg7 : memref<40x128xi32, #tpu.memory_space<vmem>>)
    %dma_wait3A_136 = arith.constant 0 : i32
    %dma_wait3A_137 = arith.constant 0 : i32
    %dma_wait3A_138 = tpu.memref_slice %arg4[%add3A, %dma_wait3A_136, %dma_wait3A_137] : memref<32x80x128xi32, #tpu.memory_space<hbm>> -> memref<1x40x128xi32, #tpu.memory_space<hbm>>
    %dma_wait3A_139 = tpu.memref_squeeze %dma_wait3A_138 : memref<1x40x128xi32, #tpu.memory_space<hbm>> -> memref<40x128xi32, #tpu.memory_space<hbm>>
    %dma_wait3A_140 = arith.constant 0 : i32
    %dma_wait3A_141 = arith.constant 0 : i32
    %dma_wait3A_142 = tpu.memref_slice %arg4[%add3A, %dma_wait3A_140, %dma_wait3A_141] : memref<32x80x128xi32, #tpu.memory_space<hbm>> -> memref<1x40x128xi32, #tpu.memory_space<hbm>>
    %dma_wait3A_143 = tpu.memref_squeeze %dma_wait3A_142 : memref<1x40x128xi32, #tpu.memory_space<hbm>> -> memref<40x128xi32, #tpu.memory_space<hbm>>
    tpu.wait_dma2 semaphore(%arg18 : memref<!tpu.dma_semaphore, #tpu.memory_space<semaphore_mem>>) src(%dma_wait3A_143 : memref<40x128xi32, #tpu.memory_space<hbm>>) dst(%arg8 : memref<40x128xi32, #tpu.memory_space<vmem>>)
    %dma_start3A_144 = arith.constant 0 : i32
    %dma_start3A_145 = arith.constant 0 : i32
    %dma_start3A_146 = tpu.memref_slice %arg7[%dma_start3A_144, %dma_start3A_145] : memref<40x128xi32, #tpu.memory_space<vmem>> -> memref<1x128xi32, #tpu.memory_space<vmem>>
    %dma_start3A_147 = tpu.memref_squeeze %dma_start3A_146 : memref<1x128xi32, #tpu.memory_space<vmem>> -> memref<128xi32, #tpu.memory_space<vmem>>
    %dma_start3A_148 = arith.constant 0 : i32
    %dma_start3A_149 = arith.constant 0 : i32
    %dma_start3A_150 = tpu.memref_slice %arg2[%dma_start3A_148, %dma_start3A_149] : memref<10000x128xf32, #tpu.memory_space<hbm>> -> memref<10000x128xf32, #tpu.memory_space<hbm>>
    tpu.enqueue_indirect_dma source(%dma_start3A_150 : memref<10000x128xf32, #tpu.memory_space<hbm>>) target(%arg9 : memref<128x128xf32, #tpu.memory_space<vmem>>) offsets(%dma_start3A_147 : memref<128xi32, #tpu.memory_space<vmem>>) semaphore(%arg15 : memref<!tpu.dma_semaphore, #tpu.memory_space<semaphore_mem>>)
    %scan3A_151 = arith.constant 0 : i32
    %scan3A_152 = arith.constant 0 : i32
    %scan3A_153 = arith.constant 40 : i32
    %scan3A_154 = arith.addi %scan3A_152, %scan3A_153 : i32
    %scan3A_155 = arith.constant 1 : i32
    %scan3A_156 = scf.for %scan3A_233 = %scan3A_152 to %scan3A_154 step %scan3A_155 iter_args(%scan3A_234 = %scan3A_151) -> (i32)  : i32 {
      %dma_start3A_235 = arith.constant 0 : i32
      %dma_start3A_236 = tpu.memref_slice %arg8[%scan3A_233, %dma_start3A_235] : memref<40x128xi32, #tpu.memory_space<vmem>> -> memref<1x128xi32, #tpu.memory_space<vmem>>
      %dma_start3A_237 = tpu.memref_squeeze %dma_start3A_236 : memref<1x128xi32, #tpu.memory_space<vmem>> -> memref<128xi32, #tpu.memory_space<vmem>>
      %dma_start3A_238 = arith.constant 0 : i32
      %dma_start3A_239 = tpu.memref_slice %arg14[%dma_start3A_238] : memref<10240xf32, #tpu.memory_space<vmem_shared>> -> memref<10240xf32, #tpu.memory_space<vmem_shared>>
      tpu.enqueue_indirect_dma source(%arg11 : memref<128xf32, #tpu.memory_space<vmem>>) target(%dma_start3A_239 : memref<10240xf32, #tpu.memory_space<vmem_shared>>) offsets(%dma_start3A_237 : memref<128xi32, #tpu.memory_space<vmem>>) semaphore(%arg17 : memref<!tpu.dma_semaphore, #tpu.memory_space<semaphore_mem>>) {add = true}
      %scan3A_240 = arith.constant 0 : i32
      scf.yield %scan3A_240 : i32
    }
    %scan3A_157 = arith.constant 40 : i32
    %scan3A_158 = arith.constant 0 : i32
    %scan3A_159 = arith.constant 0 : i32
    %scan3A_160 = arith.constant 20 : i32
    %scan3A_161 = arith.addi %scan3A_159, %scan3A_160 : i32
    %scan3A_162 = arith.constant 1 : i32
    %scan3A_163 = scf.for %scan3A_233 = %scan3A_159 to %scan3A_161 step %scan3A_162 iter_args(%scan3A_234 = %scan3A_158) -> (i32)  : i32 {
      %mul3A_235 = arith.constant 2 : i32
      %mul3A_236 = arith.muli %mul3A_235, %scan3A_233 : i32
      %add3A_237 = arith.constant 1 : i32
      %add3A_238 = arith.addi %mul3A_236, %add3A_237 : i32
      %add3A_239 = arith.constant 2 : i32
      %add3A_240 = arith.addi %mul3A_236, %add3A_239 : i32
      %dma_start3A_241 = arith.constant 0 : i32
      %dma_start3A_242 = tpu.memref_slice %arg7[%add3A_238, %dma_start3A_241] : memref<40x128xi32, #tpu.memory_space<vmem>> -> memref<1x128xi32, #tpu.memory_space<vmem>>
      %dma_start3A_243 = tpu.memref_squeeze %dma_start3A_242 : memref<1x128xi32, #tpu.memory_space<vmem>> -> memref<128xi32, #tpu.memory_space<vmem>>
      %dma_start3A_244 = arith.constant 0 : i32
      %dma_start3A_245 = arith.constant 0 : i32
      %dma_start3A_246 = tpu.memref_slice %arg2[%dma_start3A_244, %dma_start3A_245] : memref<10000x128xf32, #tpu.memory_space<hbm>> -> memref<10000x128xf32, #tpu.memory_space<hbm>>
      tpu.enqueue_indirect_dma source(%dma_start3A_246 : memref<10000x128xf32, #tpu.memory_space<hbm>>) target(%arg10 : memref<128x128xf32, #tpu.memory_space<vmem>>) offsets(%dma_start3A_243 : memref<128xi32, #tpu.memory_space<vmem>>) semaphore(%arg16 : memref<!tpu.dma_semaphore, #tpu.memory_space<semaphore_mem>>)
      %dma_wait3A_247 = arith.constant 0 : i32
      %dma_wait3A_248 = tpu.memref_slice %arg7[%mul3A_236, %dma_wait3A_247] : memref<40x128xi32, #tpu.memory_space<vmem>> -> memref<1x128xi32, #tpu.memory_space<vmem>>
      %dma_wait3A_249 = tpu.memref_squeeze %dma_wait3A_248 : memref<1x128xi32, #tpu.memory_space<vmem>> -> memref<128xi32, #tpu.memory_space<vmem>>
      %dma_wait3A_250 = arith.constant 0 : i32
      %dma_wait3A_251 = arith.constant 0 : i32
      %dma_wait3A_252 = tpu.memref_slice %arg2[%dma_wait3A_250, %dma_wait3A_251] : memref<10000x128xf32, #tpu.memory_space<hbm>> -> memref<10000x128xf32, #tpu.memory_space<hbm>>
      tpu.wait_indirect_dma semaphore(%arg15 : memref<!tpu.dma_semaphore, #tpu.memory_space<semaphore_mem>>) src(%dma_wait3A_252 : memref<10000x128xf32, #tpu.memory_space<hbm>>) dst(%arg9 : memref<128x128xf32, #tpu.memory_space<vmem>>)
      "tpu.region"() ({
        %run_scoped3A = tpu.sem_alloc : memref<!tpu.dma_semaphore, #tpu.memory_space<semaphore_mem>>
        %dma_start3A_262 = arith.constant 0 : i32
        %dma_start3A_263 = tpu.memref_slice %arg8[%mul3A_236, %dma_start3A_262] : memref<40x128xi32, #tpu.memory_space<vmem>> -> memref<1x128xi32, #tpu.memory_space<vmem>>
        %dma_start3A_264 = tpu.memref_squeeze %dma_start3A_263 : memref<1x128xi32, #tpu.memory_space<vmem>> -> memref<128xi32, #tpu.memory_space<vmem>>
        %dma_start3A_265 = arith.constant 0 : i32
        %dma_start3A_266 = arith.constant 0 : i32
        %dma_start3A_267 = tpu.memref_slice %arg13[%dma_start3A_265, %dma_start3A_266] : memref<10240x128xf32, #tpu.memory_space<vmem_shared>> -> memref<10240x128xf32, #tpu.memory_space<vmem_shared>>
        tpu.enqueue_indirect_dma source(%arg9 : memref<128x128xf32, #tpu.memory_space<vmem>>) target(%dma_start3A_267 : memref<10240x128xf32, #tpu.memory_space<vmem_shared>>) offsets(%dma_start3A_264 : memref<128xi32, #tpu.memory_space<vmem>>) semaphore(%run_scoped3A : memref<!tpu.dma_semaphore, #tpu.memory_space<semaphore_mem>>) {add = true}
        %dma_wait3A_268 = arith.constant 0 : i32
        %dma_wait3A_269 = tpu.memref_slice %arg8[%mul3A_236, %dma_wait3A_268] : memref<40x128xi32, #tpu.memory_space<vmem>> -> memref<1x128xi32, #tpu.memory_space<vmem>>
        %dma_wait3A_270 = tpu.memref_squeeze %dma_wait3A_269 : memref<1x128xi32, #tpu.memory_space<vmem>> -> memref<128xi32, #tpu.memory_space<vmem>>
        %dma_wait3A_271 = arith.constant 0 : i32
        %dma_wait3A_272 = arith.constant 0 : i32
        %dma_wait3A_273 = tpu.memref_slice %arg13[%dma_wait3A_271, %dma_wait3A_272] : memref<10240x128xf32, #tpu.memory_space<vmem_shared>> -> memref<10240x128xf32, #tpu.memory_space<vmem_shared>>
        tpu.wait_indirect_dma semaphore(%run_scoped3A : memref<!tpu.dma_semaphore, #tpu.memory_space<semaphore_mem>>) src(%arg9 : memref<128x128xf32, #tpu.memory_space<vmem>>) dst(%dma_wait3A_273 : memref<10240x128xf32, #tpu.memory_space<vmem_shared>>)
        tpu.yield
      }) : () -> ()
      %lt3A = arith.constant 40 : i32
      %lt3A_253 = arith.cmpi slt, %add3A_240, %lt3A : i32
      %convert_element_type3A = arith.extui %lt3A_253 : i1 to i32
      %cond3A = arith.constant 0 : i32
      %cond3A_254 = arith.cmpi ne, %convert_element_type3A, %cond3A : i32
      scf.if %cond3A_254 {
        %dma_start3A_262 = arith.constant 0 : i32
        %dma_start3A_263 = tpu.memref_slice %arg7[%add3A_240, %dma_start3A_262] : memref<40x128xi32, #tpu.memory_space<vmem>> -> memref<1x128xi32, #tpu.memory_space<vmem>>
        %dma_start3A_264 = tpu.memref_squeeze %dma_start3A_263 : memref<1x128xi32, #tpu.memory_space<vmem>> -> memref<128xi32, #tpu.memory_space<vmem>>
        %dma_start3A_265 = arith.constant 0 : i32
        %dma_start3A_266 = arith.constant 0 : i32
        %dma_start3A_267 = tpu.memref_slice %arg2[%dma_start3A_265, %dma_start3A_266] : memref<10000x128xf32, #tpu.memory_space<hbm>> -> memref<10000x128xf32, #tpu.memory_space<hbm>>
        tpu.enqueue_indirect_dma source(%dma_start3A_267 : memref<10000x128xf32, #tpu.memory_space<hbm>>) target(%arg9 : memref<128x128xf32, #tpu.memory_space<vmem>>) offsets(%dma_start3A_264 : memref<128xi32, #tpu.memory_space<vmem>>) semaphore(%arg15 : memref<!tpu.dma_semaphore, #tpu.memory_space<semaphore_mem>>)
      } else {
      }
      %dma_wait3A_255 = arith.constant 0 : i32
      %dma_wait3A_256 = tpu.memref_slice %arg7[%add3A_238, %dma_wait3A_255] : memref<40x128xi32, #tpu.memory_space<vmem>> -> memref<1x128xi32, #tpu.memory_space<vmem>>
      %dma_wait3A_257 = tpu.memref_squeeze %dma_wait3A_256 : memref<1x128xi32, #tpu.memory_space<vmem>> -> memref<128xi32, #tpu.memory_space<vmem>>
      %dma_wait3A_258 = arith.constant 0 : i32
      %dma_wait3A_259 = arith.constant 0 : i32
      %dma_wait3A_260 = tpu.memref_slice %arg2[%dma_wait3A_258, %dma_wait3A_259] : memref<10000x128xf32, #tpu.memory_space<hbm>> -> memref<10000x128xf32, #tpu.memory_space<hbm>>
      tpu.wait_indirect_dma semaphore(%arg16 : memref<!tpu.dma_semaphore, #tpu.memory_space<semaphore_mem>>) src(%dma_wait3A_260 : memref<10000x128xf32, #tpu.memory_space<hbm>>) dst(%arg10 : memref<128x128xf32, #tpu.memory_space<vmem>>)
      "tpu.region"() ({
        %run_scoped3A = tpu.sem_alloc : memref<!tpu.dma_semaphore, #tpu.memory_space<semaphore_mem>>
        %dma_start3A_262 = arith.constant 0 : i32
        %dma_start3A_263 = tpu.memref_slice %arg8[%add3A_238, %dma_start3A_262] : memref<40x128xi32, #tpu.memory_space<vmem>> -> memref<1x128xi32, #tpu.memory_space<vmem>>
        %dma_start3A_264 = tpu.memref_squeeze %dma_start3A_263 : memref<1x128xi32, #tpu.memory_space<vmem>> -> memref<128xi32, #tpu.memory_space<vmem>>
        %dma_start3A_265 = arith.constant 0 : i32
        %dma_start3A_266 = arith.constant 0 : i32
        %dma_start3A_267 = tpu.memref_slice %arg13[%dma_start3A_265, %dma_start3A_266] : memref<10240x128xf32, #tpu.memory_space<vmem_shared>> -> memref<10240x128xf32, #tpu.memory_space<vmem_shared>>
        tpu.enqueue_indirect_dma source(%arg10 : memref<128x128xf32, #tpu.memory_space<vmem>>) target(%dma_start3A_267 : memref<10240x128xf32, #tpu.memory_space<vmem_shared>>) offsets(%dma_start3A_264 : memref<128xi32, #tpu.memory_space<vmem>>) semaphore(%run_scoped3A : memref<!tpu.dma_semaphore, #tpu.memory_space<semaphore_mem>>) {add = true}
        %dma_wait3A_268 = arith.constant 0 : i32
        %dma_wait3A_269 = tpu.memref_slice %arg8[%add3A_238, %dma_wait3A_268] : memref<40x128xi32, #tpu.memory_space<vmem>> -> memref<1x128xi32, #tpu.memory_space<vmem>>
        %dma_wait3A_270 = tpu.memref_squeeze %dma_wait3A_269 : memref<1x128xi32, #tpu.memory_space<vmem>> -> memref<128xi32, #tpu.memory_space<vmem>>
        %dma_wait3A_271 = arith.constant 0 : i32
        %dma_wait3A_272 = arith.constant 0 : i32
        %dma_wait3A_273 = tpu.memref_slice %arg13[%dma_wait3A_271, %dma_wait3A_272] : memref<10240x128xf32, #tpu.memory_space<vmem_shared>> -> memref<10240x128xf32, #tpu.memory_space<vmem_shared>>
        tpu.wait_indirect_dma semaphore(%run_scoped3A : memref<!tpu.dma_semaphore, #tpu.memory_space<semaphore_mem>>) src(%arg10 : memref<128x128xf32, #tpu.memory_space<vmem>>) dst(%dma_wait3A_273 : memref<10240x128xf32, #tpu.memory_space<vmem_shared>>)
        tpu.yield
      }) : () -> ()
      %scan3A_261 = arith.constant 0 : i32
      scf.yield %scan3A_261 : i32
    }
    %scan3A_164 = arith.constant 20 : i32
    %scan3A_165 = arith.constant 0 : i32
    %scan3A_166 = arith.constant 0 : i32
    %scan3A_167 = arith.constant 40 : i32
    %scan3A_168 = arith.addi %scan3A_166, %scan3A_167 : i32
    %scan3A_169 = arith.constant 1 : i32
    %scan3A_170 = scf.for %scan3A_233 = %scan3A_166 to %scan3A_168 step %scan3A_169 iter_args(%scan3A_234 = %scan3A_165) -> (i32)  : i32 {
      %dma_wait3A_235 = arith.constant 0 : i32
      %dma_wait3A_236 = tpu.memref_slice %arg8[%scan3A_233, %dma_wait3A_235] : memref<40x128xi32, #tpu.memory_space<vmem>> -> memref<1x128xi32, #tpu.memory_space<vmem>>
      %dma_wait3A_237 = tpu.memref_squeeze %dma_wait3A_236 : memref<1x128xi32, #tpu.memory_space<vmem>> -> memref<128xi32, #tpu.memory_space<vmem>>
      %dma_wait3A_238 = arith.constant 0 : i32
      %dma_wait3A_239 = tpu.memref_slice %arg14[%dma_wait3A_238] : memref<10240xf32, #tpu.memory_space<vmem_shared>> -> memref<10240xf32, #tpu.memory_space<vmem_shared>>
      tpu.wait_indirect_dma semaphore(%arg17 : memref<!tpu.dma_semaphore, #tpu.memory_space<semaphore_mem>>) src(%arg11 : memref<128xf32, #tpu.memory_space<vmem>>) dst(%dma_wait3A_239 : memref<10240xf32, #tpu.memory_space<vmem_shared>>)
      %scan3A_240 = arith.constant 0 : i32
      scf.yield %scan3A_240 : i32
    }
    %scan3A_171 = arith.constant 40 : i32
    %dma_start3A_172 = arith.constant 40 : i32
    %dma_start3A_173 = arith.constant 0 : i32
    %dma_start3A_174 = tpu.memref_slice %arg3[%add3A, %dma_start3A_172, %dma_start3A_173] : memref<32x80x128xi32, #tpu.memory_space<hbm>> -> memref<1x40x128xi32, #tpu.memory_space<hbm>>
    %dma_start3A_175 = tpu.memref_squeeze %dma_start3A_174 : memref<1x40x128xi32, #tpu.memory_space<hbm>> -> memref<40x128xi32, #tpu.memory_space<hbm>>
    %dma_start3A_176 = arith.constant 40 : i32
    %dma_start3A_177 = arith.constant 0 : i32
    %dma_start3A_178 = tpu.memref_slice %arg3[%add3A, %dma_start3A_176, %dma_start3A_177] : memref<32x80x128xi32, #tpu.memory_space<hbm>> -> memref<1x40x128xi32, #tpu.memory_space<hbm>>
    %dma_start3A_179 = tpu.memref_squeeze %dma_start3A_178 : memref<1x40x128xi32, #tpu.memory_space<hbm>> -> memref<40x128xi32, #tpu.memory_space<hbm>>
    tpu.enqueue_dma source(%dma_start3A_179 : memref<40x128xi32, #tpu.memory_space<hbm>>) target(%arg7 : memref<40x128xi32, #tpu.memory_space<vmem>>) target_semaphore(%arg18 : memref<!tpu.dma_semaphore, #tpu.memory_space<semaphore_mem>>)
    %dma_start3A_180 = arith.constant 40 : i32
    %dma_start3A_181 = arith.constant 0 : i32
    %dma_start3A_182 = tpu.memref_slice %arg4[%add3A, %dma_start3A_180, %dma_start3A_181] : memref<32x80x128xi32, #tpu.memory_space<hbm>> -> memref<1x40x128xi32, #tpu.memory_space<hbm>>
    %dma_start3A_183 = tpu.memref_squeeze %dma_start3A_182 : memref<1x40x128xi32, #tpu.memory_space<hbm>> -> memref<40x128xi32, #tpu.memory_space<hbm>>
    %dma_start3A_184 = arith.constant 40 : i32
    %dma_start3A_185 = arith.constant 0 : i32
    %dma_start3A_186 = tpu.memref_slice %arg4[%add3A, %dma_start3A_184, %dma_start3A_185] : memref<32x80x128xi32, #tpu.memory_space<hbm>> -> memref<1x40x128xi32, #tpu.memory_space<hbm>>
    %dma_start3A_187 = tpu.memref_squeeze %dma_start3A_186 : memref<1x40x128xi32, #tpu.memory_space<hbm>> -> memref<40x128xi32, #tpu.memory_space<hbm>>
    tpu.enqueue_dma source(%dma_start3A_187 : memref<40x128xi32, #tpu.memory_space<hbm>>) target(%arg8 : memref<40x128xi32, #tpu.memory_space<vmem>>) target_semaphore(%arg18 : memref<!tpu.dma_semaphore, #tpu.memory_space<semaphore_mem>>)
    %dma_wait3A_188 = arith.constant 0 : i32
    %dma_wait3A_189 = arith.constant 0 : i32
    %dma_wait3A_190 = tpu.memref_slice %arg3[%add3A, %dma_wait3A_188, %dma_wait3A_189] : memref<32x80x128xi32, #tpu.memory_space<hbm>> -> memref<1x40x128xi32, #tpu.memory_space<hbm>>
    %dma_wait3A_191 = tpu.memref_squeeze %dma_wait3A_190 : memref<1x40x128xi32, #tpu.memory_space<hbm>> -> memref<40x128xi32, #tpu.memory_space<hbm>>
    %dma_wait3A_192 = arith.constant 0 : i32
    %dma_wait3A_193 = arith.constant 0 : i32
    %dma_wait3A_194 = tpu.memref_slice %arg3[%add3A, %dma_wait3A_192, %dma_wait3A_193] : memref<32x80x128xi32, #tpu.memory_space<hbm>> -> memref<1x40x128xi32, #tpu.memory_space<hbm>>
    %dma_wait3A_195 = tpu.memref_squeeze %dma_wait3A_194 : memref<1x40x128xi32, #tpu.memory_space<hbm>> -> memref<40x128xi32, #tpu.memory_space<hbm>>
    tpu.wait_dma2 semaphore(%arg18 : memref<!tpu.dma_semaphore, #tpu.memory_space<semaphore_mem>>) src(%dma_wait3A_195 : memref<40x128xi32, #tpu.memory_space<hbm>>) dst(%arg7 : memref<40x128xi32, #tpu.memory_space<vmem>>)
    %dma_wait3A_196 = arith.constant 0 : i32
    %dma_wait3A_197 = arith.constant 0 : i32
    %dma_wait3A_198 = tpu.memref_slice %arg4[%add3A, %dma_wait3A_196, %dma_wait3A_197] : memref<32x80x128xi32, #tpu.memory_space<hbm>> -> memref<1x40x128xi32, #tpu.memory_space<hbm>>
    %dma_wait3A_199 = tpu.memref_squeeze %dma_wait3A_198 : memref<1x40x128xi32, #tpu.memory_space<hbm>> -> memref<40x128xi32, #tpu.memory_space<hbm>>
    %dma_wait3A_200 = arith.constant 0 : i32
    %dma_wait3A_201 = arith.constant 0 : i32
    %dma_wait3A_202 = tpu.memref_slice %arg4[%add3A, %dma_wait3A_200, %dma_wait3A_201] : memref<32x80x128xi32, #tpu.memory_space<hbm>> -> memref<1x40x128xi32, #tpu.memory_space<hbm>>
    %dma_wait3A_203 = tpu.memref_squeeze %dma_wait3A_202 : memref<1x40x128xi32, #tpu.memory_space<hbm>> -> memref<40x128xi32, #tpu.memory_space<hbm>>
    tpu.wait_dma2 semaphore(%arg18 : memref<!tpu.dma_semaphore, #tpu.memory_space<semaphore_mem>>) src(%dma_wait3A_203 : memref<40x128xi32, #tpu.memory_space<hbm>>) dst(%arg8 : memref<40x128xi32, #tpu.memory_space<vmem>>)
    %dma_start3A_204 = arith.constant 0 : i32
    %dma_start3A_205 = arith.constant 0 : i32
    %dma_start3A_206 = tpu.memref_slice %arg7[%dma_start3A_204, %dma_start3A_205] : memref<40x128xi32, #tpu.memory_space<vmem>> -> memref<1x128xi32, #tpu.memory_space<vmem>>
    %dma_start3A_207 = tpu.memref_squeeze %dma_start3A_206 : memref<1x128xi32, #tpu.memory_space<vmem>> -> memref<128xi32, #tpu.memory_space<vmem>>
    %dma_start3A_208 = arith.constant 0 : i32
    %dma_start3A_209 = arith.constant 0 : i32
    %dma_start3A_210 = tpu.memref_slice %arg2[%dma_start3A_208, %dma_start3A_209] : memref<10000x128xf32, #tpu.memory_space<hbm>> -> memref<10000x128xf32, #tpu.memory_space<hbm>>
    tpu.enqueue_indirect_dma source(%dma_start3A_210 : memref<10000x128xf32, #tpu.memory_space<hbm>>) target(%arg9 : memref<128x128xf32, #tpu.memory_space<vmem>>) offsets(%dma_start3A_207 : memref<128xi32, #tpu.memory_space<vmem>>) semaphore(%arg15 : memref<!tpu.dma_semaphore, #tpu.memory_space<semaphore_mem>>)
    %scan3A_211 = arith.constant 0 : i32
    %scan3A_212 = arith.constant 0 : i32
    %scan3A_213 = arith.constant 40 : i32
    %scan3A_214 = arith.addi %scan3A_212, %scan3A_213 : i32
    %scan3A_215 = arith.constant 1 : i32
    %scan3A_216 = scf.for %scan3A_233 = %scan3A_212 to %scan3A_214 step %scan3A_215 iter_args(%scan3A_234 = %scan3A_211) -> (i32)  : i32 {
      %dma_start3A_235 = arith.constant 0 : i32
      %dma_start3A_236 = tpu.memref_slice %arg8[%scan3A_233, %dma_start3A_235] : memref<40x128xi32, #tpu.memory_space<vmem>> -> memref<1x128xi32, #tpu.memory_space<vmem>>
      %dma_start3A_237 = tpu.memref_squeeze %dma_start3A_236 : memref<1x128xi32, #tpu.memory_space<vmem>> -> memref<128xi32, #tpu.memory_space<vmem>>
      %dma_start3A_238 = arith.constant 0 : i32
      %dma_start3A_239 = tpu.memref_slice %arg14[%dma_start3A_238] : memref<10240xf32, #tpu.memory_space<vmem_shared>> -> memref<10240xf32, #tpu.memory_space<vmem_shared>>
      tpu.enqueue_indirect_dma source(%arg11 : memref<128xf32, #tpu.memory_space<vmem>>) target(%dma_start3A_239 : memref<10240xf32, #tpu.memory_space<vmem_shared>>) offsets(%dma_start3A_237 : memref<128xi32, #tpu.memory_space<vmem>>) semaphore(%arg17 : memref<!tpu.dma_semaphore, #tpu.memory_space<semaphore_mem>>) {add = true}
      %scan3A_240 = arith.constant 0 : i32
      scf.yield %scan3A_240 : i32
    }
    %scan3A_217 = arith.constant 40 : i32
    %scan3A_218 = arith.constant 0 : i32
    %scan3A_219 = arith.constant 0 : i32
    %scan3A_220 = arith.constant 20 : i32
    %scan3A_221 = arith.addi %scan3A_219, %scan3A_220 : i32
    %scan3A_222 = arith.constant 1 : i32
    %scan3A_223 = scf.for %scan3A_233 = %scan3A_219 to %scan3A_221 step %scan3A_222 iter_args(%scan3A_234 = %scan3A_218) -> (i32)  : i32 {
      %mul3A_235 = arith.constant 2 : i32
      %mul3A_236 = arith.muli %mul3A_235, %scan3A_233 : i32
      %add3A_237 = arith.constant 1 : i32
      %add3A_238 = arith.addi %mul3A_236, %add3A_237 : i32
      %add3A_239 = arith.constant 2 : i32
      %add3A_240 = arith.addi %mul3A_236, %add3A_239 : i32
      %dma_start3A_241 = arith.constant 0 : i32
      %dma_start3A_242 = tpu.memref_slice %arg7[%add3A_238, %dma_start3A_241] : memref<40x128xi32, #tpu.memory_space<vmem>> -> memref<1x128xi32, #tpu.memory_space<vmem>>
      %dma_start3A_243 = tpu.memref_squeeze %dma_start3A_242 : memref<1x128xi32, #tpu.memory_space<vmem>> -> memref<128xi32, #tpu.memory_space<vmem>>
      %dma_start3A_244 = arith.constant 0 : i32
      %dma_start3A_245 = arith.constant 0 : i32
      %dma_start3A_246 = tpu.memref_slice %arg2[%dma_start3A_244, %dma_start3A_245] : memref<10000x128xf32, #tpu.memory_space<hbm>> -> memref<10000x128xf32, #tpu.memory_space<hbm>>
      tpu.enqueue_indirect_dma source(%dma_start3A_246 : memref<10000x128xf32, #tpu.memory_space<hbm>>) target(%arg10 : memref<128x128xf32, #tpu.memory_space<vmem>>) offsets(%dma_start3A_243 : memref<128xi32, #tpu.memory_space<vmem>>) semaphore(%arg16 : memref<!tpu.dma_semaphore, #tpu.memory_space<semaphore_mem>>)
      %dma_wait3A_247 = arith.constant 0 : i32
      %dma_wait3A_248 = tpu.memref_slice %arg7[%mul3A_236, %dma_wait3A_247] : memref<40x128xi32, #tpu.memory_space<vmem>> -> memref<1x128xi32, #tpu.memory_space<vmem>>
      %dma_wait3A_249 = tpu.memref_squeeze %dma_wait3A_248 : memref<1x128xi32, #tpu.memory_space<vmem>> -> memref<128xi32, #tpu.memory_space<vmem>>
      %dma_wait3A_250 = arith.constant 0 : i32
      %dma_wait3A_251 = arith.constant 0 : i32
      %dma_wait3A_252 = tpu.memref_slice %arg2[%dma_wait3A_250, %dma_wait3A_251] : memref<10000x128xf32, #tpu.memory_space<hbm>> -> memref<10000x128xf32, #tpu.memory_space<hbm>>
      tpu.wait_indirect_dma semaphore(%arg15 : memref<!tpu.dma_semaphore, #tpu.memory_space<semaphore_mem>>) src(%dma_wait3A_252 : memref<10000x128xf32, #tpu.memory_space<hbm>>) dst(%arg9 : memref<128x128xf32, #tpu.memory_space<vmem>>)
      "tpu.region"() ({
        %run_scoped3A = tpu.sem_alloc : memref<!tpu.dma_semaphore, #tpu.memory_space<semaphore_mem>>
        %dma_start3A_262 = arith.constant 0 : i32
        %dma_start3A_263 = tpu.memref_slice %arg8[%mul3A_236, %dma_start3A_262] : memref<40x128xi32, #tpu.memory_space<vmem>> -> memref<1x128xi32, #tpu.memory_space<vmem>>
        %dma_start3A_264 = tpu.memref_squeeze %dma_start3A_263 : memref<1x128xi32, #tpu.memory_space<vmem>> -> memref<128xi32, #tpu.memory_space<vmem>>
        %dma_start3A_265 = arith.constant 0 : i32
        %dma_start3A_266 = arith.constant 0 : i32
        %dma_start3A_267 = tpu.memref_slice %arg13[%dma_start3A_265, %dma_start3A_266] : memref<10240x128xf32, #tpu.memory_space<vmem_shared>> -> memref<10240x128xf32, #tpu.memory_space<vmem_shared>>
        tpu.enqueue_indirect_dma source(%arg9 : memref<128x128xf32, #tpu.memory_space<vmem>>) target(%dma_start3A_267 : memref<10240x128xf32, #tpu.memory_space<vmem_shared>>) offsets(%dma_start3A_264 : memref<128xi32, #tpu.memory_space<vmem>>) semaphore(%run_scoped3A : memref<!tpu.dma_semaphore, #tpu.memory_space<semaphore_mem>>) {add = true}
        %dma_wait3A_268 = arith.constant 0 : i32
        %dma_wait3A_269 = tpu.memref_slice %arg8[%mul3A_236, %dma_wait3A_268] : memref<40x128xi32, #tpu.memory_space<vmem>> -> memref<1x128xi32, #tpu.memory_space<vmem>>
        %dma_wait3A_270 = tpu.memref_squeeze %dma_wait3A_269 : memref<1x128xi32, #tpu.memory_space<vmem>> -> memref<128xi32, #tpu.memory_space<vmem>>
        %dma_wait3A_271 = arith.constant 0 : i32
        %dma_wait3A_272 = arith.constant 0 : i32
        %dma_wait3A_273 = tpu.memref_slice %arg13[%dma_wait3A_271, %dma_wait3A_272] : memref<10240x128xf32, #tpu.memory_space<vmem_shared>> -> memref<10240x128xf32, #tpu.memory_space<vmem_shared>>
        tpu.wait_indirect_dma semaphore(%run_scoped3A : memref<!tpu.dma_semaphore, #tpu.memory_space<semaphore_mem>>) src(%arg9 : memref<128x128xf32, #tpu.memory_space<vmem>>) dst(%dma_wait3A_273 : memref<10240x128xf32, #tpu.memory_space<vmem_shared>>)
        tpu.yield
      }) : () -> ()
      %lt3A = arith.constant 40 : i32
      %lt3A_253 = arith.cmpi slt, %add3A_240, %lt3A : i32
      %convert_element_type3A = arith.extui %lt3A_253 : i1 to i32
      %cond3A = arith.constant 0 : i32
      %cond3A_254 = arith.cmpi ne, %convert_element_type3A, %cond3A : i32
      scf.if %cond3A_254 {
        %dma_start3A_262 = arith.constant 0 : i32
        %dma_start3A_263 = tpu.memref_slice %arg7[%add3A_240, %dma_start3A_262] : memref<40x128xi32, #tpu.memory_space<vmem>> -> memref<1x128xi32, #tpu.memory_space<vmem>>
        %dma_start3A_264 = tpu.memref_squeeze %dma_start3A_263 : memref<1x128xi32, #tpu.memory_space<vmem>> -> memref<128xi32, #tpu.memory_space<vmem>>
        %dma_start3A_265 = arith.constant 0 : i32
        %dma_start3A_266 = arith.constant 0 : i32
        %dma_start3A_267 = tpu.memref_slice %arg2[%dma_start3A_265, %dma_start3A_266] : memref<10000x128xf32, #tpu.memory_space<hbm>> -> memref<10000x128xf32, #tpu.memory_space<hbm>>
        tpu.enqueue_indirect_dma source(%dma_start3A_267 : memref<10000x128xf32, #tpu.memory_space<hbm>>) target(%arg9 : memref<128x128xf32, #tpu.memory_space<vmem>>) offsets(%dma_start3A_264 : memref<128xi32, #tpu.memory_space<vmem>>) semaphore(%arg15 : memref<!tpu.dma_semaphore, #tpu.memory_space<semaphore_mem>>)
      } else {
      }
      %dma_wait3A_255 = arith.constant 0 : i32
      %dma_wait3A_256 = tpu.memref_slice %arg7[%add3A_238, %dma_wait3A_255] : memref<40x128xi32, #tpu.memory_space<vmem>> -> memref<1x128xi32, #tpu.memory_space<vmem>>
      %dma_wait3A_257 = tpu.memref_squeeze %dma_wait3A_256 : memref<1x128xi32, #tpu.memory_space<vmem>> -> memref<128xi32, #tpu.memory_space<vmem>>
      %dma_wait3A_258 = arith.constant 0 : i32
      %dma_wait3A_259 = arith.constant 0 : i32
      %dma_wait3A_260 = tpu.memref_slice %arg2[%dma_wait3A_258, %dma_wait3A_259] : memref<10000x128xf32, #tpu.memory_space<hbm>> -> memref<10000x128xf32, #tpu.memory_space<hbm>>
      tpu.wait_indirect_dma semaphore(%arg16 : memref<!tpu.dma_semaphore, #tpu.memory_space<semaphore_mem>>) src(%dma_wait3A_260 : memref<10000x128xf32, #tpu.memory_space<hbm>>) dst(%arg10 : memref<128x128xf32, #tpu.memory_space<vmem>>)
      "tpu.region"() ({
        %run_scoped3A = tpu.sem_alloc : memref<!tpu.dma_semaphore, #tpu.memory_space<semaphore_mem>>
        %dma_start3A_262 = arith.constant 0 : i32
        %dma_start3A_263 = tpu.memref_slice %arg8[%add3A_238, %dma_start3A_262] : memref<40x128xi32, #tpu.memory_space<vmem>> -> memref<1x128xi32, #tpu.memory_space<vmem>>
        %dma_start3A_264 = tpu.memref_squeeze %dma_start3A_263 : memref<1x128xi32, #tpu.memory_space<vmem>> -> memref<128xi32, #tpu.memory_space<vmem>>
        %dma_start3A_265 = arith.constant 0 : i32
        %dma_start3A_266 = arith.constant 0 : i32
        %dma_start3A_267 = tpu.memref_slice %arg13[%dma_start3A_265, %dma_start3A_266] : memref<10240x128xf32, #tpu.memory_space<vmem_shared>> -> memref<10240x128xf32, #tpu.memory_space<vmem_shared>>
        tpu.enqueue_indirect_dma source(%arg10 : memref<128x128xf32, #tpu.memory_space<vmem>>) target(%dma_start3A_267 : memref<10240x128xf32, #tpu.memory_space<vmem_shared>>) offsets(%dma_start3A_264 : memref<128xi32, #tpu.memory_space<vmem>>) semaphore(%run_scoped3A : memref<!tpu.dma_semaphore, #tpu.memory_space<semaphore_mem>>) {add = true}
        %dma_wait3A_268 = arith.constant 0 : i32
        %dma_wait3A_269 = tpu.memref_slice %arg8[%add3A_238, %dma_wait3A_268] : memref<40x128xi32, #tpu.memory_space<vmem>> -> memref<1x128xi32, #tpu.memory_space<vmem>>
        %dma_wait3A_270 = tpu.memref_squeeze %dma_wait3A_269 : memref<1x128xi32, #tpu.memory_space<vmem>> -> memref<128xi32, #tpu.memory_space<vmem>>
        %dma_wait3A_271 = arith.constant 0 : i32
        %dma_wait3A_272 = arith.constant 0 : i32
        %dma_wait3A_273 = tpu.memref_slice %arg13[%dma_wait3A_271, %dma_wait3A_272] : memref<10240x128xf32, #tpu.memory_space<vmem_shared>> -> memref<10240x128xf32, #tpu.memory_space<vmem_shared>>
        tpu.wait_indirect_dma semaphore(%run_scoped3A : memref<!tpu.dma_semaphore, #tpu.memory_space<semaphore_mem>>) src(%arg10 : memref<128x128xf32, #tpu.memory_space<vmem>>) dst(%dma_wait3A_273 : memref<10240x128xf32, #tpu.memory_space<vmem_shared>>)
        tpu.yield
      }) : () -> ()
      %scan3A_261 = arith.constant 0 : i32
      scf.yield %scan3A_261 : i32
    }
    %scan3A_224 = arith.constant 20 : i32
    %scan3A_225 = arith.constant 0 : i32
    %scan3A_226 = arith.constant 0 : i32
    %scan3A_227 = arith.constant 40 : i32
    %scan3A_228 = arith.addi %scan3A_226, %scan3A_227 : i32
    %scan3A_229 = arith.constant 1 : i32
    %scan3A_230 = scf.for %scan3A_233 = %scan3A_226 to %scan3A_228 step %scan3A_229 iter_args(%scan3A_234 = %scan3A_225) -> (i32)  : i32 {
      %dma_wait3A_235 = arith.constant 0 : i32
      %dma_wait3A_236 = tpu.memref_slice %arg8[%scan3A_233, %dma_wait3A_235] : memref<40x128xi32, #tpu.memory_space<vmem>> -> memref<1x128xi32, #tpu.memory_space<vmem>>
      %dma_wait3A_237 = tpu.memref_squeeze %dma_wait3A_236 : memref<1x128xi32, #tpu.memory_space<vmem>> -> memref<128xi32, #tpu.memory_space<vmem>>
      %dma_wait3A_238 = arith.constant 0 : i32
      %dma_wait3A_239 = tpu.memref_slice %arg14[%dma_wait3A_238] : memref<10240xf32, #tpu.memory_space<vmem_shared>> -> memref<10240xf32, #tpu.memory_space<vmem_shared>>
      tpu.wait_indirect_dma semaphore(%arg17 : memref<!tpu.dma_semaphore, #tpu.memory_space<semaphore_mem>>) src(%arg11 : memref<128xf32, #tpu.memory_space<vmem>>) dst(%dma_wait3A_239 : memref<10240xf32, #tpu.memory_space<vmem_shared>>)
      %scan3A_240 = arith.constant 0 : i32
      scf.yield %scan3A_240 : i32
    }
    %scan3A_231 = arith.constant 40 : i32
    %barrier3A_232 = arith.constant 0 : index
    tpu.barrier barrier_id(%barrier3A_232)
    "tpu.region"() ({
      %run_scoped3A = tpu.sem_alloc : memref<!tpu.dma_semaphore, #tpu.memory_space<semaphore_mem>>
      %dma_start3A_233 = arith.constant 0 : i32
      %dma_start3A_234 = tpu.memref_slice %arg5[%arg0, %mul3A_64, %dma_start3A_233] : memref<2x10240x128xf32, #tpu.memory_space<hbm>> -> memref<1x640x128xf32, #tpu.memory_space<hbm>>
      %dma_start3A_235 = tpu.memref_squeeze %dma_start3A_234 : memref<1x640x128xf32, #tpu.memory_space<hbm>> -> memref<640x128xf32, #tpu.memory_space<hbm>>
      %dma_start3A_236 = arith.constant 0 : i32
      %dma_start3A_237 = tpu.memref_slice %arg13[%mul3A_64, %dma_start3A_236] : memref<10240x128xf32, #tpu.memory_space<vmem_shared>> -> memref<640x128xf32, #tpu.memory_space<vmem_shared>>
      tpu.enqueue_dma source(%dma_start3A_237 : memref<640x128xf32, #tpu.memory_space<vmem_shared>>) target(%dma_start3A_235 : memref<640x128xf32, #tpu.memory_space<hbm>>) target_semaphore(%run_scoped3A : memref<!tpu.dma_semaphore, #tpu.memory_space<semaphore_mem>>)
      %dma_wait3A_238 = arith.constant 0 : i32
      %dma_wait3A_239 = tpu.memref_slice %arg5[%arg0, %mul3A_64, %dma_wait3A_238] : memref<2x10240x128xf32, #tpu.memory_space<hbm>> -> memref<1x640x128xf32, #tpu.memory_space<hbm>>
      %dma_wait3A_240 = tpu.memref_squeeze %dma_wait3A_239 : memref<1x640x128xf32, #tpu.memory_space<hbm>> -> memref<640x128xf32, #tpu.memory_space<hbm>>
      %dma_wait3A_241 = arith.constant 0 : i32
      %dma_wait3A_242 = tpu.memref_slice %arg13[%mul3A_64, %dma_wait3A_241] : memref<10240x128xf32, #tpu.memory_space<vmem_shared>> -> memref<640x128xf32, #tpu.memory_space<vmem_shared>>
      tpu.wait_dma2 semaphore(%run_scoped3A : memref<!tpu.dma_semaphore, #tpu.memory_space<semaphore_mem>>) src(%dma_wait3A_242 : memref<640x128xf32, #tpu.memory_space<vmem_shared>>) dst(%dma_wait3A_240 : memref<640x128xf32, #tpu.memory_space<hbm>>)
      tpu.yield
    }) : () -> ()
    "tpu.region"() ({
      %run_scoped3A = tpu.sem_alloc : memref<!tpu.dma_semaphore, #tpu.memory_space<semaphore_mem>>
      %dma_start3A_233 = tpu.memref_slice %arg6[%arg0, %mul3A_64] : memref<2x10240xf32, #tpu.memory_space<hbm>> -> memref<1x640xf32, #tpu.memory_space<hbm>>
      %dma_start3A_234 = tpu.memref_squeeze %dma_start3A_233 : memref<1x640xf32, #tpu.memory_space<hbm>> -> memref<640xf32, #tpu.memory_space<hbm>>
      %dma_start3A_235 = tpu.memref_slice %arg14[%mul3A_64] : memref<10240xf32, #tpu.memory_space<vmem_shared>> -> memref<640xf32, #tpu.memory_space<vmem_shared>>
      tpu.enqueue_dma source(%dma_start3A_235 : memref<640xf32, #tpu.memory_space<vmem_shared>>) target(%dma_start3A_234 : memref<640xf32, #tpu.memory_space<hbm>>) target_semaphore(%run_scoped3A : memref<!tpu.dma_semaphore, #tpu.memory_space<semaphore_mem>>)
      %dma_wait3A_236 = tpu.memref_slice %arg6[%arg0, %mul3A_64] : memref<2x10240xf32, #tpu.memory_space<hbm>> -> memref<1x640xf32, #tpu.memory_space<hbm>>
      %dma_wait3A_237 = tpu.memref_squeeze %dma_wait3A_236 : memref<1x640xf32, #tpu.memory_space<hbm>> -> memref<640xf32, #tpu.memory_space<hbm>>
      %dma_wait3A_238 = tpu.memref_slice %arg14[%mul3A_64] : memref<10240xf32, #tpu.memory_space<vmem_shared>> -> memref<640xf32, #tpu.memory_space<vmem_shared>>
      tpu.wait_dma2 semaphore(%run_scoped3A : memref<!tpu.dma_semaphore, #tpu.memory_space<semaphore_mem>>) src(%dma_wait3A_238 : memref<640xf32, #tpu.memory_space<vmem_shared>>) dst(%dma_wait3A_237 : memref<640xf32, #tpu.memory_space<hbm>>)
      tpu.yield
    }) : () -> ()
    return
  }
}

module attributes {stable_mosaic.version = 14 : i64} {
  func.func @_tc_finish_body(%arg0: i32, %arg1: memref<2x2048x128xf32, #tpu.memory_space<vmem>>, %arg2: memref<2x16x128xf32, #tpu.memory_space<vmem>>, %arg3: memref<2048x128xf32, #tpu.memory_space<vmem>>, %arg4: memref<128x128xf32, #tpu.memory_space<vmem>>, %arg5: memref<128x128xf32, #tpu.memory_space<vmem>>, %arg6: memref<1x128xf32, #tpu.memory_space<vmem>>, %arg7: memref<1x128xf32, #tpu.memory_space<vmem>>, %arg8: memref<1x128xf32, #tpu.memory_space<vmem>>, %arg9: memref<2048x128xf32, #tpu.memory_space<vmem>>) attributes {dimension_semantics = [#tpu.dimension_semantics<arbitrary>], iteration_bounds = array<i64: 5>, scalar_prefetch = 0 : i64, scratch_operands = 0 : i64, tpu.core_type = #tpu.core_type<tc>, window_params = [{transform_indices = @transform_0, window_bounds = array<i64: 2, 2048, 128>}, {transform_indices = @transform_1, window_bounds = array<i64: 2, 16, 128>}, {transform_indices = @transform_2, window_bounds = array<i64: 2048, 128>}, {pipeline_mode = #tpu.pipeline_mode<synchronous>, transform_indices = @transform_3, window_bounds = array<i64: 128, 128>}, {pipeline_mode = #tpu.pipeline_mode<synchronous>, transform_indices = @transform_4, window_bounds = array<i64: 128, 128>}, {pipeline_mode = #tpu.pipeline_mode<synchronous>, transform_indices = @transform_5, window_bounds = array<i64: 1, 128>}, {pipeline_mode = #tpu.pipeline_mode<synchronous>, transform_indices = @transform_6, window_bounds = array<i64: 1, 128>}, {pipeline_mode = #tpu.pipeline_mode<synchronous>, transform_indices = @transform_7, window_bounds = array<i64: 1, 128>}, {transform_indices = @transform_8, window_bounds = array<i64: 2048, 128>}]} {
    %get3A = arith.constant 0 : index
    %get3A_0 = arith.constant 0 : index
    %get3A_1 = arith.constant 0 : index
    %get3A_2 = vector.load %arg1[%get3A, %get3A_0, %get3A_1] : memref<2x2048x128xf32, #tpu.memory_space<vmem>>, vector<1x2048x128xf32>
    %get3A_3 = vector.shape_cast %get3A_2 : vector<1x2048x128xf32> to vector<2048x128xf32>
    %get3A_4 = arith.constant 1 : index
    %get3A_5 = arith.constant 0 : index
    %get3A_6 = arith.constant 0 : index
    %get3A_7 = vector.load %arg1[%get3A_4, %get3A_5, %get3A_6] : memref<2x2048x128xf32, #tpu.memory_space<vmem>>, vector<1x2048x128xf32>
    %get3A_8 = vector.shape_cast %get3A_7 : vector<1x2048x128xf32> to vector<2048x128xf32>
    %add3A = arith.addf %get3A_3, %get3A_8 : vector<2048x128xf32>
    %get3A_9 = arith.constant 0 : index
    %get3A_10 = arith.constant 0 : index
    %get3A_11 = arith.constant 0 : index
    %get3A_12 = vector.load %arg2[%get3A_9, %get3A_10, %get3A_11] : memref<2x16x128xf32, #tpu.memory_space<vmem>>, vector<1x16x128xf32>
    %get3A_13 = vector.shape_cast %get3A_12 : vector<1x16x128xf32> to vector<16x128xf32>
    %get3A_14 = arith.constant 1 : index
    %get3A_15 = arith.constant 0 : index
    %get3A_16 = arith.constant 0 : index
    %get3A_17 = vector.load %arg2[%get3A_14, %get3A_15, %get3A_16] : memref<2x16x128xf32, #tpu.memory_space<vmem>>, vector<1x16x128xf32>
    %get3A_18 = vector.shape_cast %get3A_17 : vector<1x16x128xf32> to vector<16x128xf32>
    %add3A_19 = arith.addf %get3A_13, %get3A_18 : vector<16x128xf32>
    %iota3A = tpu.iota {dimensions = array<i32: 0>} : vector<2048x16xi32>
    %iota3A_20 = tpu.iota {dimensions = array<i32: 1>} : vector<2048x16xi32>
    %jit3A = arith.constant 128 : i32
    %div3A = vector.broadcast %jit3A : i32 to vector<2048x16xi32>
    %div3A_21 = arith.divsi %iota3A, %div3A : vector<2048x16xi32>
    %sign3A = arith.constant 0 : i32
    %sign3A_22 = vector.broadcast %sign3A : i32 to vector<2048x16xi32>
    %sign3A_23 = arith.cmpi sgt, %iota3A, %sign3A_22 : vector<2048x16xi32>
    %sign3A_24 = arith.extui %sign3A_23 : vector<2048x16xi1> to vector<2048x16xi32>
    %sign3A_25 = arith.constant 0 : i32
    %sign3A_26 = vector.broadcast %sign3A_25 : i32 to vector<2048x16xi32>
    %sign3A_27 = arith.cmpi slt, %iota3A, %sign3A_26 : vector<2048x16xi32>
    %sign3A_28 = arith.extui %sign3A_27 : vector<2048x16xi1> to vector<2048x16xi32>
    %sign3A_29 = arith.subi %sign3A_24, %sign3A_28 : vector<2048x16xi32>
    %sign3A_30 = arith.constant 0 : i32
    %sign3A_31 = arith.cmpi sgt, %jit3A, %sign3A_30 : i32
    %sign3A_32 = arith.extui %sign3A_31 : i1 to i32
    %sign3A_33 = arith.constant 0 : i32
    %sign3A_34 = arith.cmpi slt, %jit3A, %sign3A_33 : i32
    %sign3A_35 = arith.extui %sign3A_34 : i1 to i32
    %sign3A_36 = arith.subi %sign3A_32, %sign3A_35 : i32
    %ne3A = vector.broadcast %sign3A_36 : i32 to vector<2048x16xi32>
    %ne3A_37 = arith.cmpi ne, %sign3A_29, %ne3A : vector<2048x16xi32>
    %rem3A = vector.broadcast %jit3A : i32 to vector<2048x16xi32>
    %rem3A_38 = arith.remsi %iota3A, %rem3A : vector<2048x16xi32>
    %ne3A_39 = arith.constant 0 : i32
    %ne3A_40 = vector.broadcast %ne3A_39 : i32 to vector<2048x16xi32>
    %ne3A_41 = arith.cmpi ne, %rem3A_38, %ne3A_40 : vector<2048x16xi32>
    %and3A = arith.andi %ne3A_37, %ne3A_41 : vector<2048x16xi1>
    %sub3A = arith.constant 1 : i32
    %sub3A_42 = vector.broadcast %sub3A : i32 to vector<2048x16xi32>
    %sub3A_43 = arith.subi %div3A_21, %sub3A_42 : vector<2048x16xi32>
    %select_n3A = arith.select %and3A, %sub3A_43, %div3A_21 : vector<2048x16xi1>, vector<2048x16xi32>
    %eq3A = arith.cmpi eq, %iota3A_20, %select_n3A : vector<2048x16xi32>
    %convert_element_type3A = arith.extui %eq3A : vector<2048x16xi1> to vector<2048x16xi32>
    %convert_element_type3A_44 = arith.sitofp %convert_element_type3A : vector<2048x16xi32> to vector<2048x16xf32>
    %dot_general3A = arith.constant dense<0.000000e+00> : vector<2048x128xf32>
    %dot_general3A_45 = tpu.matmul %convert_element_type3A_44, %add3A_19, %dot_general3A {dimension_numbers = #tpu.dot_dimension_numbers<[1], [0], [0], [1], [0, 0, 1, 1], [], []>, transpose_lhs_hint = false} : vector<2048x16xf32>, vector<16x128xf32>, vector<2048x128xf32> -> vector<2048x128xf32>
    %iota3A_46 = tpu.iota {dimensions = array<i32: 0>} : vector<2048x128xi32>
    %jit3A_47 = arith.constant 128 : i32
    %eq3A_48 = arith.constant 0 : i32
    %eq3A_49 = arith.cmpi eq, %jit3A_47, %eq3A_48 : i32
    %jit3A_50 = arith.constant 1 : i32
    %select_n3A_51 = arith.select %eq3A_49, %jit3A_50, %jit3A_47 : i32
    %rem3A_52 = vector.broadcast %select_n3A_51 : i32 to vector<2048x128xi32>
    %rem3A_53 = arith.remsi %iota3A_46, %rem3A_52 : vector<2048x128xi32>
    %ne3A_54 = arith.constant 0 : i32
    %ne3A_55 = vector.broadcast %ne3A_54 : i32 to vector<2048x128xi32>
    %ne3A_56 = arith.cmpi ne, %rem3A_53, %ne3A_55 : vector<2048x128xi32>
    %lt3A = arith.constant 0 : i32
    %lt3A_57 = vector.broadcast %lt3A : i32 to vector<2048x128xi32>
    %lt3A_58 = arith.cmpi slt, %rem3A_53, %lt3A_57 : vector<2048x128xi32>
    %lt3A_59 = arith.constant 0 : i32
    %lt3A_60 = arith.cmpi slt, %select_n3A_51, %lt3A_59 : i32
    %ne3A_61 = vector.broadcast %lt3A_60 : i1 to vector<2048x128xi1>
    %ne3A_62 = vector.broadcast %ne3A_61 : vector<2048x128xi1> to vector<2048x128xi1>
    %ne3A_63 = arith.xori %lt3A_58, %ne3A_62 : vector<2048x128xi1>
    %and3A_64 = arith.andi %ne3A_63, %ne3A_56 : vector<2048x128xi1>
    %add3A_65 = vector.broadcast %select_n3A_51 : i32 to vector<2048x128xi32>
    %add3A_66 = arith.addi %rem3A_53, %add3A_65 : vector<2048x128xi32>
    %select_n3A_67 = arith.select %and3A_64, %add3A_66, %rem3A_53 : vector<2048x128xi1>, vector<2048x128xi32>
    %iota3A_68 = tpu.iota {dimensions = array<i32: 1>} : vector<2048x128xi32>
    %eq3A_69 = arith.cmpi eq, %iota3A_68, %select_n3A_67 : vector<2048x128xi32>
    %jit3A_70 = arith.constant 0.000000e+00 : f32
    %broadcast_in_dim3A = vector.broadcast %jit3A_70 : f32 to vector<2048x128xf32>
    %select_n3A_71 = arith.select %eq3A_69, %dot_general3A_45, %broadcast_in_dim3A : vector<2048x128xi1>, vector<2048x128xf32>
    %reduce_sum3A = arith.constant dense<0.000000e+00> : vector<2048xf32>
    %reduce_sum3A_72 = vector.multi_reduction <add>, %select_n3A_71, %reduce_sum3A [1] : vector<2048x128xf32> to vector<2048xf32>
    %broadcast_in_dim3A_73 = vector.shape_cast %reduce_sum3A_72 : vector<2048xf32> to vector<2048x1xf32>
    %jit3A_74 = arith.constant 1.000000e+00 : f32
    %max3A = vector.broadcast %jit3A_74 : f32 to vector<2048x1xf32>
    %max3A_75 = arith.maximumf %max3A, %broadcast_in_dim3A_73 : vector<2048x1xf32>
    %div3A_76 = vector.broadcast %max3A_75 : vector<2048x1xf32> to vector<2048x128xf32>
    %div3A_77 = arith.divf %add3A, %div3A_76 : vector<2048x128xf32>
    %get3A_78 = arith.constant 0 : index
    %get3A_79 = arith.constant 0 : index
    %get3A_80 = vector.load %arg4[%get3A_78, %get3A_79] : memref<128x128xf32, #tpu.memory_space<vmem>>, vector<128x128xf32>
    %dot_general3A_81 = arith.constant dense<0.000000e+00> : vector<2048x128xf32>
    %dot_general3A_82 = tpu.matmul %div3A_77, %get3A_80, %dot_general3A_81 {dimension_numbers = #tpu.dot_dimension_numbers<[1], [1], [0], [0], [0, 0, 1, 0], [], []>, transpose_lhs_hint = false} : vector<2048x128xf32>, vector<128x128xf32>, vector<2048x128xf32> -> vector<2048x128xf32>
    %get3A_83 = arith.constant 0 : index
    %get3A_84 = arith.constant 0 : index
    %get3A_85 = vector.load %arg3[%get3A_83, %get3A_84] : memref<2048x128xf32, #tpu.memory_space<vmem>>, vector<2048x128xf32>
    %get3A_86 = arith.constant 0 : index
    %get3A_87 = arith.constant 0 : index
    %get3A_88 = vector.load %arg5[%get3A_86, %get3A_87] : memref<128x128xf32, #tpu.memory_space<vmem>>, vector<128x128xf32>
    %dot_general3A_89 = arith.constant dense<0.000000e+00> : vector<2048x128xf32>
    %dot_general3A_90 = tpu.matmul %get3A_85, %get3A_88, %dot_general3A_89 {dimension_numbers = #tpu.dot_dimension_numbers<[1], [1], [0], [0], [0, 0, 1, 0], [], []>, transpose_lhs_hint = false} : vector<2048x128xf32>, vector<128x128xf32>, vector<2048x128xf32> -> vector<2048x128xf32>
    %add3A_91 = arith.addf %dot_general3A_82, %dot_general3A_90 : vector<2048x128xf32>
    %get3A_92 = arith.constant 0 : index
    %get3A_93 = arith.constant 0 : index
    %get3A_94 = vector.load %arg6[%get3A_92, %get3A_93] : memref<1x128xf32, #tpu.memory_space<vmem>>, vector<1x128xf32>
    %add3A_95 = vector.broadcast %get3A_94 : vector<1x128xf32> to vector<2048x128xf32>
    %add3A_96 = arith.addf %add3A_91, %add3A_95 : vector<2048x128xf32>
    %reduce_sum3A_97 = arith.constant dense<0.000000e+00> : vector<2048xf32>
    %reduce_sum3A_98 = vector.multi_reduction <add>, %add3A_96, %reduce_sum3A_97 [1] : vector<2048x128xf32> to vector<2048xf32>
    %broadcast_in_dim3A_99 = vector.shape_cast %reduce_sum3A_98 : vector<2048xf32> to vector<2048x1xf32>
    %div3A_100 = arith.constant 1.280000e+02 : f32
    %div3A_101 = vector.broadcast %div3A_100 : f32 to vector<2048x1xf32>
    %div3A_102 = arith.divf %broadcast_in_dim3A_99, %div3A_101 : vector<2048x1xf32>
    %sub3A_103 = vector.broadcast %div3A_102 : vector<2048x1xf32> to vector<2048x128xf32>
    %sub3A_104 = arith.subf %add3A_96, %sub3A_103 : vector<2048x128xf32>
    %integer_pow3A = arith.mulf %sub3A_104, %sub3A_104 : vector<2048x128xf32>
    %reduce_sum3A_105 = arith.constant dense<0.000000e+00> : vector<2048xf32>
    %reduce_sum3A_106 = vector.multi_reduction <add>, %integer_pow3A, %reduce_sum3A_105 [1] : vector<2048x128xf32> to vector<2048xf32>
    %broadcast_in_dim3A_107 = vector.shape_cast %reduce_sum3A_106 : vector<2048xf32> to vector<2048x1xf32>
    %div3A_108 = arith.constant 1.280000e+02 : f32
    %div3A_109 = vector.broadcast %div3A_108 : f32 to vector<2048x1xf32>
    %div3A_110 = arith.divf %broadcast_in_dim3A_107, %div3A_109 : vector<2048x1xf32>
    %sub3A_111 = vector.broadcast %div3A_102 : vector<2048x1xf32> to vector<2048x128xf32>
    %sub3A_112 = arith.subf %add3A_96, %sub3A_111 : vector<2048x128xf32>
    %add3A_113 = arith.constant 9.99999974E-6 : f32
    %add3A_114 = vector.broadcast %add3A_113 : f32 to vector<2048x1xf32>
    %add3A_115 = arith.addf %div3A_110, %add3A_114 : vector<2048x1xf32>
    %rsqrt3A = math.rsqrt %add3A_115 : vector<2048x1xf32>
    %mul3A = vector.broadcast %rsqrt3A : vector<2048x1xf32> to vector<2048x128xf32>
    %mul3A_116 = arith.mulf %sub3A_112, %mul3A : vector<2048x128xf32>
    %get3A_117 = arith.constant 0 : index
    %get3A_118 = arith.constant 0 : index
    %get3A_119 = vector.load %arg7[%get3A_117, %get3A_118] : memref<1x128xf32, #tpu.memory_space<vmem>>, vector<1x128xf32>
    %mul3A_120 = vector.broadcast %get3A_119 : vector<1x128xf32> to vector<2048x128xf32>
    %mul3A_121 = arith.mulf %mul3A_116, %mul3A_120 : vector<2048x128xf32>
    %get3A_122 = arith.constant 0 : index
    %get3A_123 = arith.constant 0 : index
    %get3A_124 = vector.load %arg8[%get3A_122, %get3A_123] : memref<1x128xf32, #tpu.memory_space<vmem>>, vector<1x128xf32>
    %add3A_125 = vector.broadcast %get3A_124 : vector<1x128xf32> to vector<2048x128xf32>
    %add3A_126 = arith.addf %mul3A_121, %add3A_125 : vector<2048x128xf32>
    %max3A_127 = arith.constant 0.000000e+00 : f32
    %max3A_128 = vector.broadcast %max3A_127 : f32 to vector<2048x128xf32>
    %max3A_129 = arith.maximumf %add3A_126, %max3A_128 : vector<2048x128xf32>
    %swap3A = arith.constant 0 : index
    %swap3A_130 = arith.constant 0 : index
    %swap3A_131 = vector.load %arg9[%swap3A, %swap3A_130] : memref<2048x128xf32, #tpu.memory_space<vmem>>, vector<2048x128xf32>
    tpu.vector_store %arg9[%swap3A, %swap3A_130], %max3A_129 {strides = array<i32>} : memref<2048x128xf32, #tpu.memory_space<vmem>>, vector<2048x128xf32>,
    return
  }
  func.func @transform_0(%arg0: i32) -> (i32, i32, i32) {
    %c0_i32 = arith.constant 0 : i32
    %c0_i32_0 = arith.constant 0 : i32
    %c0_i32_1 = arith.constant 0 : i32
    return %c0_i32, %arg0, %c0_i32_0 : i32, i32, i32
  }
  func.func @transform_1(%arg0: i32) -> (i32, i32, i32) {
    %c0_i32 = arith.constant 0 : i32
    %c0_i32_0 = arith.constant 0 : i32
    %c0_i32_1 = arith.constant 0 : i32
    return %c0_i32, %arg0, %c0_i32_0 : i32, i32, i32
  }
  func.func @transform_2(%arg0: i32) -> (i32, i32) {
    %c0_i32 = arith.constant 0 : i32
    %c0_i32_0 = arith.constant 0 : i32
    return %arg0, %c0_i32 : i32, i32
  }
  func.func @transform_3(%arg0: i32) -> (i32, i32) {
    %c0_i32 = arith.constant 0 : i32
    %c0_i32_0 = arith.constant 0 : i32
    %c0_i32_1 = arith.constant 0 : i32
    return %c0_i32, %c0_i32_0 : i32, i32
  }
  func.func @transform_4(%arg0: i32) -> (i32, i32) {
    %c0_i32 = arith.constant 0 : i32
    %c0_i32_0 = arith.constant 0 : i32
    %c0_i32_1 = arith.constant 0 : i32
    return %c0_i32, %c0_i32_0 : i32, i32
  }
  func.func @transform_5(%arg0: i32) -> (i32, i32) {
    %c0_i32 = arith.constant 0 : i32
    %c0_i32_0 = arith.constant 0 : i32
    %c0_i32_1 = arith.constant 0 : i32
    return %c0_i32, %c0_i32_0 : i32, i32
  }
  func.func @transform_6(%arg0: i32) -> (i32, i32) {
    %c0_i32 = arith.constant 0 : i32
    %c0_i32_0 = arith.constant 0 : i32
    %c0_i32_1 = arith.constant 0 : i32
    return %c0_i32, %c0_i32_0 : i32, i32
  }
  func.func @transform_7(%arg0: i32) -> (i32, i32) {
    %c0_i32 = arith.constant 0 : i32
    %c0_i32_0 = arith.constant 0 : i32
    %c0_i32_1 = arith.constant 0 : i32
    return %c0_i32, %c0_i32_0 : i32, i32
  }
  func.func @transform_8(%arg0: i32) -> (i32, i32) {
    %c0_i32 = arith.constant 0 : i32
    %c0_i32_0 = arith.constant 0 : i32
    return %arg0, %c0_i32 : i32, i32
  }
}

</mosaic_0001>

<sc_bundles>
// kernel: kernel.4.cloned.1.call-start
scs
__scs_entry_jumppad:
0x0: {  	(pc) =	sbr.rel $0x88, $3  }
0x1: {  	(tag) =	ssettag $0x0;
	lr =	simm.s32 $0x1  }
0x2: {  	[smem:$0x3F9A] =	sst lr;
	_ =	strace $0xD0000000  }
0x3: {  	_ = 	snop  }
0x4: {  	_ = 	snop  }
0x5: {  	_ = 	snop  }
0x6: {  	_ = 	snop  }
0x7: {  	_ = 	snop  }
__scs_overlays_trampoline_lowered:
0x8: {  	[smem:$0x3FA9] =	sst s0  }
0x9: {  	[smem:$0x3FAA] =	sst s1  }
0xa: {  	[smem:$0x3FAB] =	sst s2  }
0xb: {  	[smem:$0x3FAC] =	sst s3  }
0xc: {  	[smem:$0x3FAD] =	sst s4  }
0xd: {  	[smem:$0x3FAE] =	sst s5  }
0xe: {  	[smem:$0x3FAF] =	sst s6  }
0xf: {  	[smem:$0x3FB0] =	sst s7  }
0x10: {  	[smem:$0x3FB1] =	sst s8  }
0x11: {  	[smem:$0x3FB2] =	sst s9;
	s0 =	simm.s32 @!p0 $0x0  }
0x12: {  	s1 =	sld [smem:$0x3F98];
	s0 =	simm.s32 @p0 $0x1  }
0x13: {  	[smem:$0x3FB3] =	sst s0;
	s0 =	simm.s32 @!p1 $0x0  }
0x14: {  	s2 =	sld [smem:$0x3F97];
	s0 =	simm.s32 @p1 $0x1  }
0x15: {  	[smem:$0x3FB4] =	sst s0;
	s0 =	simm.s32 @!p2 $0x0  }
0x16: {  	s3 =	sld [smem:$0x3FDB];
	s0 =	simm.s32 @p2 $0x1  }
0x17: {  	s4 =	simm.s32 $0x1BF5;
	[smem:$0x3FB6] =	sst s0  }
0x18: {  	s0 =	sld [smem:$0x3F99];
	_ =	swait.ge [sflag:s4], $0x0  }
0x19: {  	s7 =	sld [smem:$0x3F9A]  }
0x1a: {  	s8 =	sadd.s32 $0xFFFFE003, lr  }
0x1b: {  	s9 =	sadd.s32 $0xFFFFFEF7, lr;
	s5 =	simm.s32 $0xFFFFFFFF;
	p2 =	slt.u32 s8, $0xFFFFF086  }
0x1c: {  	p1 =	slt.u32 s9, $0xF7A;
	s5 =	simm.s32 @!p2 $0x0  }
0x1d: {  	s5 =	simm.s32 @p1 $0x1;
	p0 =	seq.s32 s7, s2  }
0x1e: {  	s7 =	smul.u32 @!p0 $0xF7A, s2;
	p2 =	seq.s32 @!p0 s5, $0x0  }
0x1f: {  	s9 =	smul.u32 $0xF7A, s1;
	s8 =	simm.s32 @!p0 $0x1BF5;
	p2 =	por !p2, p0  }
0x20: {  	[sflag:s8] =	ssyncset.s32 @!p0 $0xFFFFF086;
	s6 =	sadd.s32 @!p0 s3, s7;
	s7 =	simm.s32 @!p0 $0x108  }
0x21: {  	s3 =	sadd.s32 s3, s9;
	s6 =	sadd.s32 @!p0 $0x88, s6;
	s7 =	simm.s32 @p2 $0x1082  }
0x22: {  	[simem:s7], [sflag:s8] =	dma.local @!p0 [hbm:s6], $0xF7A  }
0x23: {  	s9 =	sor.u32 $0xD0000000, s2;
	s6 =	simm.s32 $0x108;
	_ =	swait.ge @!p0 [sflag:s8], $0x0  }
0x24: {  	s3 =	sadd.s32 $0x88, s3;
	s6 =	simm.s32 @!p1 $0x1082;
	[sflag:s4] =	ssyncset.s32 $0xFFFFF086  }
0x25: {  	[simem:s6], [sflag:s4] =	dma.local [hbm:s3], $0xF7A  }
0x26: {  	[smem:$0x3F9A] =	sst s1;
	(tag) =	ssettag s2;
	_ =	strace s9  }
0x27: {  	s1 =	sld [smem:$0x3FAA]  }
0x28: {  	s2 =	sld [smem:$0x3FAB]  }
0x29: {  	s4 =	sld [smem:$0x3FAD]  }
0x2a: {  	p0 =	seq.s32 s5, $0x0;
	s5 =	sld [smem:$0x3FAE]  }
0x2b: {  	s6 =	sld [smem:$0x3FAF]  }
0x2c: {  	s7 =	sld [smem:$0x3FB0]  }
0x2d: {  	s3 =	simm.s32 $0x108;
	s8 =	sld [smem:$0x3FB1]  }
0x2e: {  	s3 =	simm.s32 @!p0 $0x1082;
	s9 =	sld [smem:$0x3FB2]  }
0x2f: {  	lr =	sadd.s32 s0, s3;
	s0 =	sld [smem:$0x3FA9]  }
0x30: {  	s3 =	sld [smem:$0x3FAC]  }
0x31: {  	[smem:$0x3FB5] =	sst s10  }
0x32: {  	s10 =	sld [smem:$0x3FB3];
	_ =	sdelay $0x3  }
0x33: {  	p0 =	seq.s32 s10, $0x1;
	s10 =	sld [smem:$0x3FB5];
	_ =	sdelay $0x3  }
0x34: {  	[smem:$0x3FB5] =	sst s10  }
0x35: {  	s10 =	sld [smem:$0x3FB4];
	_ =	sdelay $0x3  }
0x36: {  	p1 =	seq.s32 s10, $0x1;
	s10 =	sld [smem:$0x3FB5];
	_ =	sdelay $0x3  }
0x37: {  	[smem:$0x3FB5] =	sst s10  }
0x38: {  	s10 =	sld [smem:$0x3FB6]  }
0x39: {  	_ = 	snop;
	(pc) =	sbr.ind lr, $3  }
0x3a: {  	_ = 	snop  }
0x3b: {  	_ = 	snop  }
0x3c: {  	p2 =	seq.s32 s10, $0x1;
	s10 =	sld [smem:$0x3FB5]  }
0x3d: {  	_ =	shalt  }
0x3e: {  	_ =	shalt  }
0x3f: {  	_ =	shalt  }
0x40: {  	_ =	shalt  }
0x41: {  	_ =	shalt  }
0x42: {  	_ =	shalt  }
0x43: {  	_ =	shalt  }
0x44: {  	_ =	shalt  }
0x45: {  	_ =	shalt  }
0x46: {  	_ =	shalt  }
0x47: {  	_ =	shalt  }
0x48: {  	_ =	shalt  }
0x49: {  	_ =	shalt  }
0x4a: {  	_ =	shalt  }
0x4b: {  	_ =	shalt  }
0x4c: {  	_ =	shalt  }
0x4d: {  	_ =	shalt  }
0x4e: {  	_ =	shalt  }
0x4f: {  	_ =	shalt  }
0x50: {  	_ =	shalt  }
0x51: {  	_ =	shalt  }
0x52: {  	_ =	shalt  }
0x53: {  	_ =	shalt  }
0x54: {  	_ =	shalt  }
0x55: {  	_ =	shalt  }
0x56: {  	_ =	shalt  }
0x57: {  	_ =	shalt  }
0x58: {  	_ =	shalt  }
0x59: {  	_ =	shalt  }
0x5a: {  	_ =	shalt  }
0x5b: {  	_ =	shalt  }
0x5c: {  	_ =	shalt  }
0x5d: {  	_ =	shalt  }
0x5e: {  	_ =	shalt  }
0x5f: {  	_ =	shalt  }
0x60: {  	_ =	shalt  }
0x61: {  	_ =	shalt  }
0x62: {  	_ =	shalt  }
0x63: {  	_ =	shalt  }
0x64: {  	_ =	shalt  }
0x65: {  	_ =	shalt  }
0x66: {  	_ =	shalt  }
0x67: {  	_ =	shalt  }
0x68: {  	_ =	shalt  }
0x69: {  	_ =	shalt  }
0x6a: {  	_ =	shalt  }
0x6b: {  	_ =	shalt  }
0x6c: {  	_ =	shalt  }
0x6d: {  	_ =	shalt  }
0x6e: {  	_ =	shalt  }
0x6f: {  	_ =	shalt  }
0x70: {  	_ =	shalt  }
0x71: {  	_ =	shalt  }
0x72: {  	_ =	shalt  }
0x73: {  	_ =	shalt  }
0x74: {  	_ =	shalt  }
0x75: {  	_ =	shalt  }
0x76: {  	_ =	shalt  }
0x77: {  	_ =	shalt  }
0x78: {  	_ =	shalt  }
0x79: {  	_ =	shalt  }
0x7a: {  	_ =	shalt  }
0x7b: {  	_ =	shalt  }
0x7c: {  	_ =	shalt  }
0x7d: {  	_ =	shalt  }
0x7e: {  	_ =	shalt  }
0x7f: {  	_ =	shalt  }
0x80: {  	_ =	shalt  }
0x81: {  	_ =	shalt  }
0x82: {  	_ =	shalt  }
0x83: {  	_ =	shalt  }
0x84: {  	_ =	shalt  }
0x85: {  	_ =	shalt  }
0x86: {  	_ =	shalt  }
0x87: {  	_ =	shalt  }
.Lfunc_end0:
.L_simem_size_0:
called_computation_lowered:
.L_overlay_start_0:
0x88: {  	s2 =	sld [smem:$0x3FD9]  }
0x89: {  	s3 =	sld [smem:$0x3FFE];
	_ =	sdelay $0x1  }
0x8a: {  	s1 =	srdreg.scid  }
0x8b: {  	s0 =	sand.u32 $0x1, s1  }
0x8c: {  	s17 =	sshll.u32 s0, $0xA;
	s2 =	sadd.s32 s3, s2  }
0x8d: {  	s2 =	sadd.s32 s2, s17  }
0x8e: {  	[smem:$0x3FC1] =	sst s2  }
0x8f: {  	_ = 	snop  }
0x90: {  	s2 =	sld [smem:$0x3FC9]  }
0x91: {  	s18 =	sld [smem:$0x3FD0];
	(tm) =	ssettm $0x1  }
0x92: {  	s4 =	sld [smem:$0x3FFB];
	_ =	sdelay $0x3  }
0x93: {  	_ =	strace s4  }
0x94: {  	s4 =	sld [smem:$0x3FFC];
	_ =	sdelay $0x3  }
0x95: {  	_ =	strace s4  }
0x96: {  	s4 =	sld [smem:$0x3FFD];
	_ =	sdelay $0x3  }
0x97: {  	_ =	strace s4  }
0x98: {  	_ =	strace $0x8FFFFFFF  }
0x99: {  	s19 =	sld [smem:$0x3FDB];
	_ =	sdelay $0x1  }
0x9a: {  	s5 =	simm.s32 $_scs_section_size  }
0x9b: {  	s6 =	simm.s32 $_size__tile_overlayer_lowered;
	s7 =	simm.s32 $_tile_overlayer_lowered  }
0x9c: {  	s22 =	simm.s32 $0x1BFF;
	s21 =	sshll.u32 s7, $0x1;
	s4 =	sadd.s32 s5, s19  }
0x9d: {  	s8 =	simm.s32 $0x0;
	s20 =	sshll.u32 s6, $0x1;
	s6 =	sadd.s32 s21, s4  }
0x9e: {  	[timem:s8], [sflag:s22] =	dma.local [hbm:s6], s20  }
0x9f: {  	_ =	swait.ge [sflag:s22], s20  }
0xa0: {  	s5 =	ssub.s32 $0x0, s20;
	[sflag:s22] =	ssyncset.done $0x0  }
0xa1: {  	[sflag:s22] =	ssyncadd.s32 s5;
	_ =	sdelay $0x1  }
0xa2: {  	s23 =	simm.s32 $0x1B8B  }
0xa3: {  	_ =	swait.ge [sflag:s23], $0x1  }
0xa4: {  	[sflag:s23] =	ssyncset.done $0x0  }
0xa5: {  	s25 =	simm.s32 $0x1B8E;
	s24 =	sld [smem:$0x3FFE];
	[sflag:s23] =	ssyncadd.s32 $0xFFFFFFFF  }
0xa6: {  	s26 =	simm.s32 $execute0_lowered;
	[smem:$0x3FD2] =	sst s25  }
0xa7: {  	s6 =	sshll.u32 s26, $0x1;
	_ =	strace $0x80000046;
	[dreg:$0x1] =	wrdreg $0xFFFFFFFF  }
0xa8: {  	s28 =	simm.s32 $_size_execute0_lowered;
	s4 =	sadd.s32 s4, s6;
	[dreg:$0x0] =	wrdreg $0x0  }
0xa9: {  	s6 =	sshll.u32 s28, $0x1;
	[dreg:$0x2] =	wrdreg s4  }
0xaa: {  	[dreg:$0x3] =	wrdreg s6  }
0xab: {  	[dreg:$0x4] =	wrdreg $0xC0  }
0xac: {  	_ =	task [dreg:s8], $0x5FFFF  }
0xad: {  	[dreg:$0x1] =	wrdreg $0xFFFFFFFF  }
0xae: {  	[dreg:$0x0] =	wrdreg $0x60  }
0xaf: {  	[dreg:$0x2] =	wrdreg s2  }
0xb0: {  	[dreg:$0x3] =	wrdreg s18  }
0xb1: {  	[dreg:$0x4] =	wrdreg s24  }
0xb2: {  	[dreg:$0x5] =	wrdreg $0xAB000  }
0xb3: {  	[dreg:$0x6] =	wrdreg $0x1EB000  }
0xb4: {  	[dreg:$0x7] =	wrdreg $0x9  }
0xb5: {  	_ =	task.clear_ibuf [dreg:s8], $0x8FFFF;
	_ =	strace $0x90000046  }
0xb6: {  	s29 =	simm.s32 $0x9;
	_ =	strace $0x80000048  }
0xb7: {  	_ =	swait.ge [sflag:s29], $0x1  }
0xb8: {  	[sflag:s29] =	ssyncadd.s32 $0xFFFFFFFF  }
0xb9: {  	_ =	strace $0x90000048  }
0xba: {  	_ =	sfence  }
0xbb: {  	s30 =	sld [smem:$0x0];
	_ =	sdelay $0x2  }
0xbc: {  	s31 =	sshll.u32 s1, $0xD;
	s1 =	sshrl.u32 s1, $0x2  }
0xbd: {  	s3 =	sand.u32 $0x4000, s31;
	s1 =	sadd.s32 s1, s30  }
0xbe: {  	s0 =	sor.u32 s3, s0;
	s1 =	sshll.u32 s1, $0x11  }
0xbf: {  	s0 =	sor.u32 s1, s0  }
0xc0: {  	s0 =	sadd.s32 $0x8F2B, s0  }
0xc1: {  	[sflag:s0] =	ssyncadd.remote.s32 $0x1  }
0xc2: {  	_ =	sfence.sel $0xFFFF  }
0xc3: {  	[dreg:$0x0] =	wrdreg $0xFFFFFFFF;
	(pc) =	sbr.abs _section_cstart, $3  }
0xc4: {  	[dreg:$0x1] =	wrdreg $0xFFFFFFFF  }
0xc5: {  	_ =	task.clear_ibuf [dreg:s8], $0x2FFFF;
	_ =	strace $0x9FFFFFFF  }
0xc6: {  	(tm) =	ssettm $0x7FFFFFFF  }
0xc7: {  	_ =	shalt  }
tec
execute0_lowered:
.L_overlay_start_1:
0x0: {  	(tag) =	ssettag $0x1  }
0x1: {  	s1 =	rddreg [dreg:$0x0]  }
0x2: {  	s0 =	rddreg [dreg:$0x1]  }
0x3: {  	s4 =	rddreg [dreg:$0x2]  }
0x4: {  	s2 =	rddreg [dreg:$0x3]  }
0x5: {  	s3 =	rddreg [dreg:$0x4]  }
0x6: {  	s5 =	srdreg.scid;
	s12 =	stileid.u32  }
0x7: {  	s7 =	simm.s32 $0x0;
	s28 =	simm.s32 $0x2;
	s10 =	smul.u32 $0x14000, s12  }
0x8: {  	s29 =	simm.s32 $0x1380;
	s30 =	simm.s32 $0x3;
	s11 =	smul.u32 $0x500, s12  }
0x9: {  	s31 =	simm.s32 $0x0;
	s5 =	sand.u32 $0x1, s5;
	s13 =	smul.u32 $0x50000, s12  }
0xa: {  	[smem:$0x7FF] =	sst s7;
	s9 =	sadd.s32 $0x1600, s4;
	s17 =	smul.u32 $0xA00, s12  }
0xb: {  	s6 =	smul.u32 $0x140000, s5;
	_ =	strace $0x80000047;
	s8 =	sshll.u32 s5, $0x4  }
0xc: {  	s8 =	sor.u32 s12, s8;
	s16 =	sshrl.u32 s13, $0x2;
	s12 =	simm.s32 $0x2580  }
0xd: {  	s6 =	sadd.s32 s10, s6;
	s10 =	sshll.u32 s5, $0x7;
	s8 =	smul.u32 $0x2800, s8  }
0xe: {  	s5 =	ssub.s32 $0x2, s5;
	s6 =	sshrl.u32 s6, $0x3;
	s7 =	sor.u32 s10, s11  }
0xf: {  	s14 =	sshrl.u32 s5, $0x1;
	s10 =	simm.s32 $0x2480;
	s6 =	sadd.s32 s6, s4  }
0x10: {  	s7 =	sshrl.u32 s7, $0x3;
	s11 =	sshrl.u32 s8, $0x3;
	s5 =	ssub.s32 s5, s14  }
0x11: {  	s14 =	simm.s32 $0x2600;
	s4 =	sadd.s32 s7, s4;
	s15 =	sadd.s32 s0, s11  }
0x12: {  	s8 =	sadd.s32 s9, s11;
	s7 =	sshrl.u32 s17, $0x2;
	s22 =	sadd.s32 $0x280, s11  }
0x13: {  	s24 =	sadd.s32 $0xC000, s6;
	s26 =	smax.u32 s5, $0x1;
	[dreg:$0x6] =	wrdreg s15  }
0x14: {  	s11 =	simm.s32 $0x2500;
	s17 =	simm.s32 $0x2780;
	[dreg:$0x7] =	wrdreg s8  }
0x15: {  	s8 =	sadd.s32 s16, s2;
	s13 =	sadd.s32 s7, s3;
	[dreg:$0xe] =	wrdreg s24  }
0x16: {  	s0 =	sadd.s32 s0, s22;
	s23 =	sadd.s32 s9, s22;
	[dreg:$0x10] =	wrdreg s26  }
0x17: {  	s25 =	sadd.s32 $0xB600, s4;
	s22 =	simm.s32 $0x1;
	[dreg:$0xc] =	wrdreg s0  }
0x18: {  	s24 =	simm.s32 $0x80;
	s7 =	simm.s32 $0x2380;
	[dreg:$0xd] =	wrdreg s23  }
0x19: {  	s9 =	simm.s32 $0x2400;
	s18 =	sadd.s32 $0x4000, s8;
	[dreg:$0xf] =	wrdreg s25  }
0x1a: {  	s15 =	simm.s32 $0x2680;
	s19 =	sadd.s32 $0x8000, s8;
	[dreg:$0x8] =	wrdreg s18  }
0x1b: {  	s16 =	simm.s32 $0x2700;
	s20 =	sadd.s32 $0xC000, s8;
	[dreg:$0x9] =	wrdreg s19  }
0x1c: {  	s26 =	simm.s32 $0x6800;
	s21 =	sadd.s32 $0x10000, s8;
	[dreg:$0xa] =	wrdreg s20  }
0x1d: {  	s23 =	simm.s32 $0x4;
	s25 =	simm.s32 $0xA800;
	[dreg:$0xb] =	wrdreg s21  }
0x1e: {  	v0 =	vimm.f32 $1.000000000e+00;
	v1 =	vimm.f32 $0.0e+00;
	s19 =	simm.s32 $0x1400;
	s20 =	simm.s32 $0x2800;
	s18 =	simm.s32 $0x5  }
.LBB2_1:
0x1f: {  	s0 =	simm.s32 $0x0;
	s4 =	rddreg [dreg:$0x6]  }
0x20: {  	[tilespmem:s0], [sflag:$0x4] =	stream.linear.gather [hbm4b:s4+s0], $0x1400, $0x38;
	[tilespmem:$0x1ED80] =	vst v63  }
0x21: {  	s21 =	rddreg [dreg:$0x7]  }
0x22: {  	[tilespmem:s19], [sflag:$0x4] =	stream.linear.gather [hbm4b:s21+s0], $0x1400, $0x38;
	[tilespmem:$0x1ED80] =	vst v63  }
0x23: {  	[tilespmem:$0xA800] =	vst v0  }
0x24: {  	[tilespmem:$0xA810] =	vst v0  }
0x25: {  	[tilespmem:$0xA820] =	vst v0  }
0x26: {  	[tilespmem:$0xA830] =	vst v0  }
0x27: {  	[tilespmem:$0xA840] =	vst v0  }
0x28: {  	[tilespmem:$0xA850] =	vst v0  }
0x29: {  	[tilespmem:$0xA860] =	vst v0  }
0x2a: {  	s0 =	simm.s32 $0x0;
	s21 =	simm.s32 $0x200;
	[tilespmem:$0xA870] =	vst v0  }
.LBB2_2:
0x2b: {  	p0 =	sne.s32 s21, $0xFE00;
	[tilespmem:s0+$0x2870] =	vst v1  }
0x2c: {  	[tilespmem:s0+$0x2800] =	vst v1  }
0x2d: {  	[tilespmem:s0+$0x2810] =	vst v1  }
.Ltmp0:
0x2e: {  	[tilespmem:s0+$0x2820] =	vst v1;
	(pc) =	sbr.rel @p0 .LBB2_2-.Ltmp0, $4  }
0x2f: {  	[tilespmem:s0+$0x2830] =	vst v1  }
0x30: {  	[tilespmem:s0+$0x2840] =	vst v1  }
0x31: {  	[tilespmem:s0+$0x2850] =	vst v1  }
0x32: {  	[tilespmem:s0+$0x2860] =	vst v1;
	s0 =	sshra.s32 s21, $0x2;
	s21 =	sadd.s32 $0x200, s21  }
0x33: {  	[tilespmem:s0+$0x2870] =	vst v1  }
0x34: {  	[tilespmem:s0+$0x2800] =	vst v1  }
0x35: {  	[tilespmem:s0+$0x2810] =	vst v1  }
0x36: {  	[tilespmem:s0+$0x2820] =	vst v1  }
0x37: {  	[tilespmem:s0+$0x2830] =	vst v1  }
0x38: {  	[tilespmem:s0+$0x2840] =	vst v1  }
0x39: {  	[tilespmem:s0+$0x2850] =	vst v1  }
0x3a: {  	[tilespmem:s0+$0x2860] =	vst v1  }
0x3b: {  	[tilespmem:$0xA880] =	vst v1  }
0x3c: {  	[tilespmem:$0xA890] =	vst v1  }
0x3d: {  	[tilespmem:$0xA8A0] =	vst v1  }
0x3e: {  	[tilespmem:$0xA8B0] =	vst v1  }
0x3f: {  	[tilespmem:$0xA8C0] =	vst v1  }
0x40: {  	[tilespmem:$0xA8D0] =	vst v1  }
0x41: {  	[tilespmem:$0xA8E0] =	vst v1  }
0x42: {  	[tilespmem:$0xA8F0] =	vst v1  }
0x43: {  	[tilespmem:$0xA900] =	vst v1  }
0x44: {  	[tilespmem:$0xA910] =	vst v1  }
0x45: {  	[tilespmem:$0xA920] =	vst v1  }
0x46: {  	[tilespmem:$0xA930] =	vst v1  }
0x47: {  	[tilespmem:$0xA940] =	vst v1  }
0x48: {  	[tilespmem:$0xA950] =	vst v1  }
0x49: {  	[tilespmem:$0xA960] =	vst v1  }
0x4a: {  	[tilespmem:$0xA970] =	vst v1  }
0x4b: {  	[tilespmem:$0xA980] =	vst v1  }
0x4c: {  	[tilespmem:$0xA990] =	vst v1  }
0x4d: {  	[tilespmem:$0xA9A0] =	vst v1  }
0x4e: {  	[tilespmem:$0xA9B0] =	vst v1  }
0x4f: {  	[tilespmem:$0xA9C0] =	vst v1  }
0x50: {  	[tilespmem:$0xA9D0] =	vst v1  }
0x51: {  	[tilespmem:$0xA9E0] =	vst v1  }
0x52: {  	[tilespmem:$0xA9F0] =	vst v1  }
0x53: {  	[tilespmem:$0xAA00] =	vst v1  }
0x54: {  	[tilespmem:$0xAA10] =	vst v1  }
0x55: {  	[tilespmem:$0xAA20] =	vst v1  }
0x56: {  	[tilespmem:$0xAA30] =	vst v1  }
0x57: {  	[tilespmem:$0xAA40] =	vst v1  }
0x58: {  	[tilespmem:$0xAA50] =	vst v1  }
0x59: {  	[tilespmem:$0xAA60] =	vst v1  }
0x5a: {  	[tilespmem:$0xAA70] =	vst v1  }
0x5b: {  	[tilespmem:$0xAA80] =	vst v1  }
0x5c: {  	[tilespmem:$0xAA90] =	vst v1  }
0x5d: {  	[tilespmem:$0xAAA0] =	vst v1  }
0x5e: {  	[tilespmem:$0xAAB0] =	vst v1  }
0x5f: {  	[tilespmem:$0xAAC0] =	vst v1  }
0x60: {  	[tilespmem:$0xAAD0] =	vst v1  }
0x61: {  	[tilespmem:$0xAAE0] =	vst v1  }
0x62: {  	[tilespmem:$0xAAF0] =	vst v1  }
0x63: {  	[spmem:s8] =	stream.linear.scatter [tilespmem:s20], [sflag:$0x1], $0x4000, $0x38;
	[tilespmem:$0x1ED80] =	vst v63  }
0x64: {  	s4 =	rddreg [dreg:$0x8]  }
0x65: {  	[spmem:s4] =	stream.linear.scatter [tilespmem:s20], [sflag:$0x1], $0x4000, $0x38;
	[tilespmem:$0x1ED80] =	vst v63  }
0x66: {  	s5 =	rddreg [dreg:$0x9]  }
0x67: {  	[spmem:s5] =	stream.linear.scatter [tilespmem:s20], [sflag:$0x1], $0x4000, $0x38;
	[tilespmem:$0x1ED80] =	vst v63  }
0x68: {  	s6 =	rddreg [dreg:$0xa]  }
0x69: {  	[spmem:s6] =	stream.linear.scatter [tilespmem:s20], [sflag:$0x1], $0x4000, $0x38;
	[tilespmem:$0x1ED80] =	vst v63  }
0x6a: {  	s21 =	rddreg [dreg:$0xb]  }
0x6b: {  	[spmem:s21] =	stream.linear.scatter [tilespmem:s20], [sflag:$0x1], $0x4000, $0x38;
	[tilespmem:$0x1ED80] =	vst v63  }
0x6c: {  	s4 =	simm.s32 $0xA880  }
0x6d: {  	[spmem:s13] =	stream.linear.scatter [tilespmem:s4], [sflag:$0x1], $0x280, $0x38;
	[tilespmem:$0x1ED80] =	vst v63  }
0x6e: {  	_ =	swait.ge [sflag:s22], $0x4000  }
0x6f: {  	[sflag:s22] =	ssyncset.done $0x0  }
0x70: {  	[sflag:s22] =	ssyncadd.s32 $0xFFFFC000  }
0x71: {  	_ =	swait.ge [sflag:s22], $0x4000  }
0x72: {  	[sflag:s22] =	ssyncset.done $0x0  }
0x73: {  	[sflag:s22] =	ssyncadd.s32 $0xFFFFC000  }
0x74: {  	_ =	swait.ge [sflag:s22], $0x4000  }
0x75: {  	[sflag:s22] =	ssyncset.done $0x0  }
0x76: {  	[sflag:s22] =	ssyncadd.s32 $0xFFFFC000  }
0x77: {  	_ =	swait.ge [sflag:s22], $0x4000  }
0x78: {  	[sflag:s22] =	ssyncset.done $0x0  }
0x79: {  	[sflag:s22] =	ssyncadd.s32 $0xFFFFC000  }
0x7a: {  	_ =	swait.ge [sflag:s22], $0x4000  }
0x7b: {  	[sflag:s22] =	ssyncset.done $0x0  }
0x7c: {  	[sflag:s22] =	ssyncadd.s32 $0xFFFFC000  }
0x7d: {  	_ =	swait.ge [sflag:s22], $0x280  }
0x7e: {  	[sflag:s22] =	ssyncset.done $0x0  }
0x7f: {  	[sflag:s22] =	ssyncadd.s32 $0xFFFFFD80  }
0x80: {  	[bflag:$0x0] =	sbarrier.arrive $0xFFFF  }
0x81: {  	_ =	swait.ge [sflag:s23], $0x1400  }
0x82: {  	[sflag:s23] =	ssyncset.done $0x0  }
0x83: {  	[sflag:s23] =	ssyncadd.s32 $0xFFFFEC00  }
0x84: {  	_ =	swait.ge [sflag:s23], $0x1400  }
0x85: {  	[sflag:s23] =	ssyncset.done $0x0  }
0x86: {  	s5 =	simm.s32 $0x0;
	[sflag:s23] =	ssyncadd.s32 $0xFFFFEC00  }
0x87: {  	[tilespmem:s20], [sflag:$0x1] =	stream.indirect.gather [hbm4b:s1+s24], $0x80, s5, s24, $0xb8;
	[tilespmem:$0x1ED80] =	vst v63  }
0x88: {  	_ = 	snop  }
0x89: {  	[spmem:s3] =	stream.indirect.scatter.add.f32 [tilespmem:s25], [sflag:$0x3], $0x1, s19, s24, $0xb8;
	[tilespmem:$0x1ED80] =	vst v63  }
0x8a: {  	s6 =	simm.s32 $0x1480  }
0x8b: {  	[spmem:s3] =	stream.indirect.scatter.add.f32 [tilespmem:s25], [sflag:$0x3], $0x1, s6, s24, $0xb8;
	[tilespmem:$0x1ED80] =	vst v63  }
0x8c: {  	s21 =	simm.s32 $0x1500  }
0x8d: {  	[spmem:s3] =	stream.indirect.scatter.add.f32 [tilespmem:s25], [sflag:$0x3], $0x1, s21, s24, $0xb8;
	[tilespmem:$0x1ED80] =	vst v63  }
0x8e: {  	s4 =	simm.s32 $0x1580  }
0x8f: {  	[spmem:s3] =	stream.indirect.scatter.add.f32 [tilespmem:s25], [sflag:$0x3], $0x1, s4, s24, $0xb8;
	[tilespmem:$0x1ED80] =	vst v63  }
0x90: {  	s5 =	simm.s32 $0x1600  }
0x91: {  	[spmem:s3] =	stream.indirect.scatter.add.f32 [tilespmem:s25], [sflag:$0x3], $0x1, s5, s24, $0xb8;
	[tilespmem:$0x1ED80] =	vst v63  }
0x92: {  	s6 =	simm.s32 $0x1680  }
0x93: {  	[spmem:s3] =	stream.indirect.scatter.add.f32 [tilespmem:s25], [sflag:$0x3], $0x1, s6, s24, $0xb8;
	[tilespmem:$0x1ED80] =	vst v63  }
0x94: {  	s21 =	simm.s32 $0x1700  }
0x95: {  	[spmem:s3] =	stream.indirect.scatter.add.f32 [tilespmem:s25], [sflag:$0x3], $0x1, s21, s24, $0xb8;
	[tilespmem:$0x1ED80] =	vst v63  }
0x96: {  	s4 =	simm.s32 $0x1780  }
0x97: {  	[spmem:s3] =	stream.indirect.scatter.add.f32 [tilespmem:s25], [sflag:$0x3], $0x1, s4, s24, $0xb8;
	[tilespmem:$0x1ED80] =	vst v63  }
0x98: {  	s5 =	simm.s32 $0x1800  }
0x99: {  	[spmem:s3] =	stream.indirect.scatter.add.f32 [tilespmem:s25], [sflag:$0x3], $0x1, s5, s24, $0xb8;
	[tilespmem:$0x1ED80] =	vst v63  }
0x9a: {  	s6 =	simm.s32 $0x1880  }
0x9b: {  	[spmem:s3] =	stream.indirect.scatter.add.f32 [tilespmem:s25], [sflag:$0x3], $0x1, s6, s24, $0xb8;
	[tilespmem:$0x1ED80] =	vst v63  }
0x9c: {  	s21 =	simm.s32 $0x1900  }
0x9d: {  	[spmem:s3] =	stream.indirect.scatter.add.f32 [tilespmem:s25], [sflag:$0x3], $0x1, s21, s24, $0xb8;
	[tilespmem:$0x1ED80] =	vst v63  }
0x9e: {  	s4 =	simm.s32 $0x1980  }
0x9f: {  	[spmem:s3] =	stream.indirect.scatter.add.f32 [tilespmem:s25], [sflag:$0x3], $0x1, s4, s24, $0xb8;
	[tilespmem:$0x1ED80] =	vst v63  }
0xa0: {  	s5 =	simm.s32 $0x1A00  }
0xa1: {  	[spmem:s3] =	stream.indirect.scatter.add.f32 [tilespmem:s25], [sflag:$0x3], $0x1, s5, s24, $0xb8;
	[tilespmem:$0x1ED80] =	vst v63  }
0xa2: {  	s6 =	simm.s32 $0x1A80  }
0xa3: {  	[spmem:s3] =	stream.indirect.scatter.add.f32 [tilespmem:s25], [sflag:$0x3], $0x1, s6, s24, $0xb8;
	[tilespmem:$0x1ED80] =	vst v63  }
0xa4: {  	s21 =	simm.s32 $0x1B00  }
0xa5: {  	[spmem:s3] =	stream.indirect.scatter.add.f32 [tilespmem:s25], [sflag:$0x3], $0x1, s21, s24, $0xb8;
	[tilespmem:$0x1ED80] =	vst v63  }
0xa6: {  	s4 =	simm.s32 $0x1B80  }
0xa7: {  	[spmem:s3] =	stream.indirect.scatter.add.f32 [tilespmem:s25], [sflag:$0x3], $0x1, s4, s24, $0xb8;
	[tilespmem:$0x1ED80] =	vst v63  }
0xa8: {  	s5 =	simm.s32 $0x1C00  }
0xa9: {  	[spmem:s3] =	stream.indirect.scatter.add.f32 [tilespmem:s25], [sflag:$0x3], $0x1, s5, s24, $0xb8;
	[tilespmem:$0x1ED80] =	vst v63  }
0xaa: {  	s6 =	simm.s32 $0x1C80  }
0xab: {  	[spmem:s3] =	stream.indirect.scatter.add.f32 [tilespmem:s25], [sflag:$0x3], $0x1, s6, s24, $0xb8;
	[tilespmem:$0x1ED80] =	vst v63  }
0xac: {  	s21 =	simm.s32 $0x1D00  }
0xad: {  	[spmem:s3] =	stream.indirect.scatter.add.f32 [tilespmem:s25], [sflag:$0x3], $0x1, s21, s24, $0xb8;
	[tilespmem:$0x1ED80] =	vst v63  }
0xae: {  	s4 =	simm.s32 $0x1D80  }
0xaf: {  	[spmem:s3] =	stream.indirect.scatter.add.f32 [tilespmem:s25], [sflag:$0x3], $0x1, s4, s24, $0xb8;
	[tilespmem:$0x1ED80] =	vst v63  }
0xb0: {  	s5 =	simm.s32 $0x1E00  }
0xb1: {  	[spmem:s3] =	stream.indirect.scatter.add.f32 [tilespmem:s25], [sflag:$0x3], $0x1, s5, s24, $0xb8;
	[tilespmem:$0x1ED80] =	vst v63  }
0xb2: {  	s6 =	simm.s32 $0x1E80  }
0xb3: {  	[spmem:s3] =	stream.indirect.scatter.add.f32 [tilespmem:s25], [sflag:$0x3], $0x1, s6, s24, $0xb8;
	[tilespmem:$0x1ED80] =	vst v63  }
0xb4: {  	s21 =	simm.s32 $0x1F00  }
0xb5: {  	[spmem:s3] =	stream.indirect.scatter.add.f32 [tilespmem:s25], [sflag:$0x3], $0x1, s21, s24, $0xb8;
	[tilespmem:$0x1ED80] =	vst v63  }
0xb6: {  	s4 =	simm.s32 $0x1F80  }
0xb7: {  	[spmem:s3] =	stream.indirect.scatter.add.f32 [tilespmem:s25], [sflag:$0x3], $0x1, s4, s24, $0xb8;
	[tilespmem:$0x1ED80] =	vst v63  }
0xb8: {  	s5 =	simm.s32 $0x2000  }
0xb9: {  	[spmem:s3] =	stream.indirect.scatter.add.f32 [tilespmem:s25], [sflag:$0x3], $0x1, s5, s24, $0xb8;
	[tilespmem:$0x1ED80] =	vst v63  }
0xba: {  	s6 =	simm.s32 $0x2080  }
0xbb: {  	[spmem:s3] =	stream.indirect.scatter.add.f32 [tilespmem:s25], [sflag:$0x3], $0x1, s6, s24, $0xb8;
	[tilespmem:$0x1ED80] =	vst v63  }
0xbc: {  	s21 =	simm.s32 $0x2100  }
0xbd: {  	[spmem:s3] =	stream.indirect.scatter.add.f32 [tilespmem:s25], [sflag:$0x3], $0x1, s21, s24, $0xb8;
	[tilespmem:$0x1ED80] =	vst v63  }
0xbe: {  	s4 =	simm.s32 $0x2180  }
0xbf: {  	[spmem:s3] =	stream.indirect.scatter.add.f32 [tilespmem:s25], [sflag:$0x3], $0x1, s4, s24, $0xb8;
	[tilespmem:$0x1ED80] =	vst v63  }
0xc0: {  	s5 =	simm.s32 $0x2200  }
0xc1: {  	[spmem:s3] =	stream.indirect.scatter.add.f32 [tilespmem:s25], [sflag:$0x3], $0x1, s5, s24, $0xb8;
	[tilespmem:$0x1ED80] =	vst v63  }
0xc2: {  	s6 =	simm.s32 $0x2280  }
0xc3: {  	[spmem:s3] =	stream.indirect.scatter.add.f32 [tilespmem:s25], [sflag:$0x3], $0x1, s6, s24, $0xb8;
	[tilespmem:$0x1ED80] =	vst v63  }
0xc4: {  	s21 =	simm.s32 $0x2300  }
0xc5: {  	[spmem:s3] =	stream.indirect.scatter.add.f32 [tilespmem:s25], [sflag:$0x3], $0x1, s21, s24, $0xb8;
	[tilespmem:$0x1ED80] =	vst v63  }
0xc6: {  	_ = 	snop  }
0xc7: {  	[spmem:s3] =	stream.indirect.scatter.add.f32 [tilespmem:s25], [sflag:$0x3], $0x1, s7, s24, $0xb8;
	[tilespmem:$0x1ED80] =	vst v63  }
0xc8: {  	_ = 	snop  }
0xc9: {  	[spmem:s3] =	stream.indirect.scatter.add.f32 [tilespmem:s25], [sflag:$0x3], $0x1, s9, s24, $0xb8;
	[tilespmem:$0x1ED80] =	vst v63  }
0xca: {  	_ = 	snop  }
0xcb: {  	[spmem:s3] =	stream.indirect.scatter.add.f32 [tilespmem:s25], [sflag:$0x3], $0x1, s10, s24, $0xb8;
	[tilespmem:$0x1ED80] =	vst v63  }
0xcc: {  	_ = 	snop  }
0xcd: {  	[spmem:s3] =	stream.indirect.scatter.add.f32 [tilespmem:s25], [sflag:$0x3], $0x1, s11, s24, $0xb8;
	[tilespmem:$0x1ED80] =	vst v63  }
0xce: {  	_ = 	snop  }
0xcf: {  	[spmem:s3] =	stream.indirect.scatter.add.f32 [tilespmem:s25], [sflag:$0x3], $0x1, s12, s24, $0xb8;
	[tilespmem:$0x1ED80] =	vst v63  }
0xd0: {  	_ = 	snop  }
0xd1: {  	[spmem:s3] =	stream.indirect.scatter.add.f32 [tilespmem:s25], [sflag:$0x3], $0x1, s14, s24, $0xb8;
	[tilespmem:$0x1ED80] =	vst v63  }
0xd2: {  	_ = 	snop  }
0xd3: {  	[spmem:s3] =	stream.indirect.scatter.add.f32 [tilespmem:s25], [sflag:$0x3], $0x1, s15, s24, $0xb8;
	[tilespmem:$0x1ED80] =	vst v63  }
0xd4: {  	_ = 	snop  }
0xd5: {  	[spmem:s3] =	stream.indirect.scatter.add.f32 [tilespmem:s25], [sflag:$0x3], $0x1, s16, s24, $0xb8;
	[tilespmem:$0x1ED80] =	vst v63  }
0xd6: {  	_ = 	snop  }
0xd7: {  	[spmem:s3] =	stream.indirect.scatter.add.f32 [tilespmem:s25], [sflag:$0x3], $0x1, s17, s24, $0xb8;
	[tilespmem:$0x1ED80] =	vst v63  }
0xd8: {  	s4 =	simm.s32 $0x80  }
0xd9: {  	[tilespmem:s26], [sflag:$0x2] =	stream.indirect.gather [hbm4b:s1+s24], $0x80, s4, s24, $0xb8;
	[tilespmem:$0x1ED80] =	vst v63  }
0xda: {  	_ =	swait.ge [sflag:s22], $0x4000  }
0xdb: {  	[sflag:s22] =	ssyncset.done $0x0  }
0xdc: {  	s5 =	simm.s32 $0x1400;
	[sflag:s22] =	ssyncadd.s32 $0xFFFFC000  }
0xdd: {  	[spmem:s2] =	stream.indirect.scatter.add.f32 [tilespmem:s20], [sflag:$0x5], $0x80, s5, s24, $0xb8;
	[tilespmem:$0x1ED80] =	vst v63  }
0xde: {  	_ =	swait.ge [sflag:s18], $0x4000  }
0xdf: {  	[sflag:s18] =	ssyncset.done $0x0  }
0xe0: {  	s6 =	simm.s32 $0x100;
	[sflag:s18] =	ssyncadd.s32 $0xFFFFC000  }
0xe1: {  	[tilespmem:s20], [sflag:$0x1] =	stream.indirect.gather [hbm4b:s1+s24], $0x80, s6, s24, $0xb8;
	[tilespmem:$0x1ED80] =	vst v63  }
0xe2: {  	_ =	swait.ge [sflag:s28], $0x4000  }
0xe3: {  	[sflag:s28] =	ssyncset.done $0x0  }
0xe4: {  	s21 =	simm.s32 $0x1480;
	[sflag:s28] =	ssyncadd.s32 $0xFFFFC000  }
0xe5: {  	[spmem:s2] =	stream.indirect.scatter.add.f32 [tilespmem:s26], [sflag:$0x5], $0x80, s21, s24, $0xb8;
	[tilespmem:$0x1ED80] =	vst v63  }
0xe6: {  	_ =	swait.ge [sflag:s18], $0x4000  }
0xe7: {  	s0 =	simm.s32 $0x100;
	s21 =	simm.s32 $0x800;
	[sflag:s18] =	ssyncset.done $0x0  }
.LBB2_4:
0xe8: {  	s4 =	sadd.s32 $0x80, s0  }
0xe9: {  	[sflag:s18] =	ssyncadd.s32 $0xFFFFC000;
	s5 =	smov.u32 s21;
	s6 =	sadd.s32 $0x400, s21  }
0xea: {  	[tilespmem:s26], [sflag:$0x2] =	stream.indirect.gather [hbm4b:s1+s24], $0x80, s4, s24, $0xb8;
	[tilespmem:$0x1ED80] =	vst v63  }
0xeb: {  	p0 =	sne.s32 s21, $0x4800;
	_ =	swait.ge [sflag:s22], $0x4000  }
0xec: {  	[sflag:s22] =	ssyncset.done $0x0  }
0xed: {  	s4 =	sadd.s32 $0x1400, s0;
	[sflag:s22] =	ssyncadd.s32 $0xFFFFC000  }
0xee: {  	[spmem:s2] =	stream.indirect.scatter.add.f32 [tilespmem:s20], [sflag:$0x5], $0x80, s4, s24, $0xb8;
	[tilespmem:$0x1ED80] =	vst v63  }
0xef: {  	_ =	swait.ge [sflag:s18], $0x4000  }
0xf0: {  	[sflag:s18] =	ssyncset.done $0x0  }
0xf1: {  	s4 =	sadd.s32 $0x100, s0;
	[sflag:s18] =	ssyncadd.s32 $0xFFFFC000  }
0xf2: {  	[tilespmem:s20], [sflag:$0x1] =	stream.indirect.gather [hbm4b:s1+s24], $0x80, s4, s24, $0xb8;
	[tilespmem:$0x1ED80] =	vst v63  }
0xf3: {  	_ =	swait.ge [sflag:s28], $0x4000  }
.Ltmp1:
0xf4: {  	[sflag:s28] =	ssyncset.done $0x0;
	(pc) =	sbr.rel @p0 .LBB2_4-.Ltmp1, $4  }
0xf5: {  	s0 =	sadd.s32 $0x1480, s0;
	[sflag:s28] =	ssyncadd.s32 $0xFFFFC000  }
0xf6: {  	[spmem:s2] =	stream.indirect.scatter.add.f32 [tilespmem:s26], [sflag:$0x5], $0x80, s0, s24, $0xb8;
	[tilespmem:$0x1ED80] =	vst v63  }
0xf7: {  	_ =	swait.ge [sflag:s18], $0x4000  }
0xf8: {  	s21 =	smov.u32 s6;
	s0 =	sshra.s32 s5, $0x2;
	[sflag:s18] =	ssyncset.done $0x0  }
0xf9: {  	s4 =	sadd.s32 $0x80, s0;
	[sflag:s18] =	ssyncadd.s32 $0xFFFFC000  }
0xfa: {  	[tilespmem:s26], [sflag:$0x2] =	stream.indirect.gather [hbm4b:s1+s24], $0x80, s4, s24, $0xb8;
	[tilespmem:$0x1ED80] =	vst v63  }
0xfb: {  	_ =	swait.ge [sflag:s22], $0x4000  }
0xfc: {  	[sflag:s22] =	ssyncset.done $0x0  }
0xfd: {  	s5 =	sadd.s32 $0x1400, s0;
	[sflag:s22] =	ssyncadd.s32 $0xFFFFC000  }
0xfe: {  	[spmem:s2] =	stream.indirect.scatter.add.f32 [tilespmem:s20], [sflag:$0x5], $0x80, s5, s24, $0xb8;
	[tilespmem:$0x1ED80] =	vst v63  }
0xff: {  	_ =	swait.ge [sflag:s18], $0x4000  }
0x100: {  	[sflag:s18] =	ssyncset.done $0x0  }
0x101: {  	s6 =	sadd.s32 $0x100, s0;
	[sflag:s18] =	ssyncadd.s32 $0xFFFFC000  }
0x102: {  	[tilespmem:s20], [sflag:$0x1] =	stream.indirect.gather [hbm4b:s1+s24], $0x80, s6, s24, $0xb8;
	[tilespmem:$0x1ED80] =	vst v63  }
0x103: {  	_ =	swait.ge [sflag:s28], $0x4000  }
0x104: {  	[sflag:s28] =	ssyncset.done $0x0  }
0x105: {  	s21 =	sadd.s32 $0x1480, s0;
	[sflag:s28] =	ssyncadd.s32 $0xFFFFC000  }
0x106: {  	[spmem:s2] =	stream.indirect.scatter.add.f32 [tilespmem:s26], [sflag:$0x5], $0x80, s21, s24, $0xb8;
	[tilespmem:$0x1ED80] =	vst v63  }
0x107: {  	_ =	swait.ge [sflag:s18], $0x4000  }
0x108: {  	[sflag:s18] =	ssyncset.done $0x0  }
0x109: {  	[sflag:s18] =	ssyncadd.s32 $0xFFFFC000  }
0x10a: {  	[tilespmem:s26], [sflag:$0x2] =	stream.indirect.gather [hbm4b:s1+s24], $0x80, s29, s24, $0xb8;
	[tilespmem:$0x1ED80] =	vst v63  }
0x10b: {  	_ =	swait.ge [sflag:s22], $0x4000  }
0x10c: {  	[sflag:s22] =	ssyncset.done $0x0  }
0x10d: {  	[sflag:s22] =	ssyncadd.s32 $0xFFFFC000  }
0x10e: {  	[spmem:s2] =	stream.indirect.scatter.add.f32 [tilespmem:s20], [sflag:$0x5], $0x80, s16, s24, $0xb8;
	[tilespmem:$0x1ED80] =	vst v63  }
0x10f: {  	_ =	swait.ge [sflag:s18], $0x4000  }
0x110: {  	[sflag:s18] =	ssyncset.done $0x0  }
0x111: {  	[sflag:s18] =	ssyncadd.s32 $0xFFFFC000  }
0x112: {  	_ =	swait.ge [sflag:s28], $0x4000  }
0x113: {  	[sflag:s28] =	ssyncset.done $0x0  }
0x114: {  	[sflag:s28] =	ssyncadd.s32 $0xFFFFC000  }
0x115: {  	[spmem:s2] =	stream.indirect.scatter.add.f32 [tilespmem:s26], [sflag:$0x5], $0x80, s17, s24, $0xb8;
	[tilespmem:$0x1ED80] =	vst v63  }
0x116: {  	_ =	swait.ge [sflag:s18], $0x4000  }
0x117: {  	[sflag:s18] =	ssyncset.done $0x0  }
0x118: {  	[sflag:s18] =	ssyncadd.s32 $0xFFFFC000  }
0x119: {  	_ =	swait.ge [sflag:s30], $0x80  }
0x11a: {  	s0 =	simm.s32 $0x27;
	[sflag:s30] =	ssyncset.done $0x0  }
.LBB2_6:
0x11b: {  	p0 =	sne.s32 s0, $0x1;
	s0 =	sadd.s32 $0xFFFFFFFF, s0;
	[sflag:s30] =	ssyncadd.s32 $0xFFFFFF80  }
.Ltmp2:
0x11c: {  	(pc) =	sbr.rel @p0 .LBB2_6-.Ltmp2, $3  }
0x11d: {  	_ =	sdelay $0x1  }
0x11e: {  	_ =	swait.ge [sflag:s30], $0x80  }
0x11f: {  	[sflag:s30] =	ssyncset.done $0x0  }
0x120: {  	[sflag:s30] =	ssyncadd.s32 $0xFFFFFF80;
	s0 =	simm.s32 $0x0;
	s4 =	rddreg [dreg:$0xc]  }
0x121: {  	[tilespmem:s0], [sflag:$0x4] =	stream.linear.gather [hbm4b:s4+s0], $0x1400, $0x38;
	[tilespmem:$0x1ED80] =	vst v63  }
0x122: {  	s5 =	rddreg [dreg:$0xd]  }
0x123: {  	[tilespmem:s19], [sflag:$0x4] =	stream.linear.gather [hbm4b:s5+s0], $0x1400, $0x38;
	[tilespmem:$0x1ED80] =	vst v63  }
0x124: {  	_ =	swait.ge [sflag:s23], $0x1400  }
0x125: {  	[sflag:s23] =	ssyncset.done $0x0  }
0x126: {  	[sflag:s23] =	ssyncadd.s32 $0xFFFFEC00  }
0x127: {  	_ =	swait.ge [sflag:s23], $0x1400  }
0x128: {  	[sflag:s23] =	ssyncset.done $0x0  }
0x129: {  	[sflag:s23] =	ssyncadd.s32 $0xFFFFEC00  }
0x12a: {  	[tilespmem:s20], [sflag:$0x1] =	stream.indirect.gather [hbm4b:s1+s24], $0x80, s0, s24, $0xb8;
	[tilespmem:$0x1ED80] =	vst v63  }
0x12b: {  	_ = 	snop  }
0x12c: {  	[spmem:s3] =	stream.indirect.scatter.add.f32 [tilespmem:s25], [sflag:$0x3], $0x1, s19, s24, $0xb8;
	[tilespmem:$0x1ED80] =	vst v63  }
0x12d: {  	s6 =	simm.s32 $0x1480  }
0x12e: {  	[spmem:s3] =	stream.indirect.scatter.add.f32 [tilespmem:s25], [sflag:$0x3], $0x1, s6, s24, $0xb8;
	[tilespmem:$0x1ED80] =	vst v63  }
0x12f: {  	s21 =	simm.s32 $0x1500  }
0x130: {  	[spmem:s3] =	stream.indirect.scatter.add.f32 [tilespmem:s25], [sflag:$0x3], $0x1, s21, s24, $0xb8;
	[tilespmem:$0x1ED80] =	vst v63  }
0x131: {  	s4 =	simm.s32 $0x1580  }
0x132: {  	[spmem:s3] =	stream.indirect.scatter.add.f32 [tilespmem:s25], [sflag:$0x3], $0x1, s4, s24, $0xb8;
	[tilespmem:$0x1ED80] =	vst v63  }
0x133: {  	s5 =	simm.s32 $0x1600  }
0x134: {  	[spmem:s3] =	stream.indirect.scatter.add.f32 [tilespmem:s25], [sflag:$0x3], $0x1, s5, s24, $0xb8;
	[tilespmem:$0x1ED80] =	vst v63  }
0x135: {  	s6 =	simm.s32 $0x1680  }
0x136: {  	[spmem:s3] =	stream.indirect.scatter.add.f32 [tilespmem:s25], [sflag:$0x3], $0x1, s6, s24, $0xb8;
	[tilespmem:$0x1ED80] =	vst v63  }
0x137: {  	s21 =	simm.s32 $0x1700  }
0x138: {  	[spmem:s3] =	stream.indirect.scatter.add.f32 [tilespmem:s25], [sflag:$0x3], $0x1, s21, s24, $0xb8;
	[tilespmem:$0x1ED80] =	vst v63  }
0x139: {  	s4 =	simm.s32 $0x1780  }
0x13a: {  	[spmem:s3] =	stream.indirect.scatter.add.f32 [tilespmem:s25], [sflag:$0x3], $0x1, s4, s24, $0xb8;
	[tilespmem:$0x1ED80] =	vst v63  }
0x13b: {  	s5 =	simm.s32 $0x1800  }
0x13c: {  	[spmem:s3] =	stream.indirect.scatter.add.f32 [tilespmem:s25], [sflag:$0x3], $0x1, s5, s24, $0xb8;
	[tilespmem:$0x1ED80] =	vst v63  }
0x13d: {  	s6 =	simm.s32 $0x1880  }
0x13e: {  	[spmem:s3] =	stream.indirect.scatter.add.f32 [tilespmem:s25], [sflag:$0x3], $0x1, s6, s24, $0xb8;
	[tilespmem:$0x1ED80] =	vst v63  }
0x13f: {  	s21 =	simm.s32 $0x1900  }
0x140: {  	[spmem:s3] =	stream.indirect.scatter.add.f32 [tilespmem:s25], [sflag:$0x3], $0x1, s21, s24, $0xb8;
	[tilespmem:$0x1ED80] =	vst v63  }
0x141: {  	s4 =	simm.s32 $0x1980  }
0x142: {  	[spmem:s3] =	stream.indirect.scatter.add.f32 [tilespmem:s25], [sflag:$0x3], $0x1, s4, s24, $0xb8;
	[tilespmem:$0x1ED80] =	vst v63  }
0x143: {  	s5 =	simm.s32 $0x1A00  }
0x144: {  	[spmem:s3] =	stream.indirect.scatter.add.f32 [tilespmem:s25], [sflag:$0x3], $0x1, s5, s24, $0xb8;
	[tilespmem:$0x1ED80] =	vst v63  }
0x145: {  	s6 =	simm.s32 $0x1A80  }
0x146: {  	[spmem:s3] =	stream.indirect.scatter.add.f32 [tilespmem:s25], [sflag:$0x3], $0x1, s6, s24, $0xb8;
	[tilespmem:$0x1ED80] =	vst v63  }
0x147: {  	s21 =	simm.s32 $0x1B00  }
0x148: {  	[spmem:s3] =	stream.indirect.scatter.add.f32 [tilespmem:s25], [sflag:$0x3], $0x1, s21, s24, $0xb8;
	[tilespmem:$0x1ED80] =	vst v63  }
0x149: {  	s4 =	simm.s32 $0x1B80  }
0x14a: {  	[spmem:s3] =	stream.indirect.scatter.add.f32 [tilespmem:s25], [sflag:$0x3], $0x1, s4, s24, $0xb8;
	[tilespmem:$0x1ED80] =	vst v63  }
0x14b: {  	s5 =	simm.s32 $0x1C00  }
0x14c: {  	[spmem:s3] =	stream.indirect.scatter.add.f32 [tilespmem:s25], [sflag:$0x3], $0x1, s5, s24, $0xb8;
	[tilespmem:$0x1ED80] =	vst v63  }
0x14d: {  	s6 =	simm.s32 $0x1C80  }
0x14e: {  	[spmem:s3] =	stream.indirect.scatter.add.f32 [tilespmem:s25], [sflag:$0x3], $0x1, s6, s24, $0xb8;
	[tilespmem:$0x1ED80] =	vst v63  }
0x14f: {  	s21 =	simm.s32 $0x1D00  }
0x150: {  	[spmem:s3] =	stream.indirect.scatter.add.f32 [tilespmem:s25], [sflag:$0x3], $0x1, s21, s24, $0xb8;
	[tilespmem:$0x1ED80] =	vst v63  }
0x151: {  	s4 =	simm.s32 $0x1D80  }
0x152: {  	[spmem:s3] =	stream.indirect.scatter.add.f32 [tilespmem:s25], [sflag:$0x3], $0x1, s4, s24, $0xb8;
	[tilespmem:$0x1ED80] =	vst v63  }
0x153: {  	s5 =	simm.s32 $0x1E00  }
0x154: {  	[spmem:s3] =	stream.indirect.scatter.add.f32 [tilespmem:s25], [sflag:$0x3], $0x1, s5, s24, $0xb8;
	[tilespmem:$0x1ED80] =	vst v63  }
0x155: {  	s6 =	simm.s32 $0x1E80  }
0x156: {  	[spmem:s3] =	stream.indirect.scatter.add.f32 [tilespmem:s25], [sflag:$0x3], $0x1, s6, s24, $0xb8;
	[tilespmem:$0x1ED80] =	vst v63  }
0x157: {  	s21 =	simm.s32 $0x1F00  }
0x158: {  	[spmem:s3] =	stream.indirect.scatter.add.f32 [tilespmem:s25], [sflag:$0x3], $0x1, s21, s24, $0xb8;
	[tilespmem:$0x1ED80] =	vst v63  }
0x159: {  	s4 =	simm.s32 $0x1F80  }
0x15a: {  	[spmem:s3] =	stream.indirect.scatter.add.f32 [tilespmem:s25], [sflag:$0x3], $0x1, s4, s24, $0xb8;
	[tilespmem:$0x1ED80] =	vst v63  }
0x15b: {  	s5 =	simm.s32 $0x2000  }
0x15c: {  	[spmem:s3] =	stream.indirect.scatter.add.f32 [tilespmem:s25], [sflag:$0x3], $0x1, s5, s24, $0xb8;
	[tilespmem:$0x1ED80] =	vst v63  }
0x15d: {  	s6 =	simm.s32 $0x2080  }
0x15e: {  	[spmem:s3] =	stream.indirect.scatter.add.f32 [tilespmem:s25], [sflag:$0x3], $0x1, s6, s24, $0xb8;
	[tilespmem:$0x1ED80] =	vst v63  }
0x15f: {  	s21 =	simm.s32 $0x2100  }
0x160: {  	[spmem:s3] =	stream.indirect.scatter.add.f32 [tilespmem:s25], [sflag:$0x3], $0x1, s21, s24, $0xb8;
	[tilespmem:$0x1ED80] =	vst v63  }
0x161: {  	s4 =	simm.s32 $0x2180  }
0x162: {  	[spmem:s3] =	stream.indirect.scatter.add.f32 [tilespmem:s25], [sflag:$0x3], $0x1, s4, s24, $0xb8;
	[tilespmem:$0x1ED80] =	vst v63  }
0x163: {  	s5 =	simm.s32 $0x2200  }
0x164: {  	[spmem:s3] =	stream.indirect.scatter.add.f32 [tilespmem:s25], [sflag:$0x3], $0x1, s5, s24, $0xb8;
	[tilespmem:$0x1ED80] =	vst v63  }
0x165: {  	s6 =	simm.s32 $0x2280  }
0x166: {  	[spmem:s3] =	stream.indirect.scatter.add.f32 [tilespmem:s25], [sflag:$0x3], $0x1, s6, s24, $0xb8;
	[tilespmem:$0x1ED80] =	vst v63  }
0x167: {  	s21 =	simm.s32 $0x2300  }
0x168: {  	[spmem:s3] =	stream.indirect.scatter.add.f32 [tilespmem:s25], [sflag:$0x3], $0x1, s21, s24, $0xb8;
	[tilespmem:$0x1ED80] =	vst v63  }
0x169: {  	_ = 	snop  }
0x16a: {  	[spmem:s3] =	stream.indirect.scatter.add.f32 [tilespmem:s25], [sflag:$0x3], $0x1, s7, s24, $0xb8;
	[tilespmem:$0x1ED80] =	vst v63  }
0x16b: {  	_ = 	snop  }
0x16c: {  	[spmem:s3] =	stream.indirect.scatter.add.f32 [tilespmem:s25], [sflag:$0x3], $0x1, s9, s24, $0xb8;
	[tilespmem:$0x1ED80] =	vst v63  }
0x16d: {  	_ = 	snop  }
0x16e: {  	[spmem:s3] =	stream.indirect.scatter.add.f32 [tilespmem:s25], [sflag:$0x3], $0x1, s10, s24, $0xb8;
	[tilespmem:$0x1ED80] =	vst v63  }
0x16f: {  	_ = 	snop  }
0x170: {  	[spmem:s3] =	stream.indirect.scatter.add.f32 [tilespmem:s25], [sflag:$0x3], $0x1, s11, s24, $0xb8;
	[tilespmem:$0x1ED80] =	vst v63  }
0x171: {  	_ = 	snop  }
0x172: {  	[spmem:s3] =	stream.indirect.scatter.add.f32 [tilespmem:s25], [sflag:$0x3], $0x1, s12, s24, $0xb8;
	[tilespmem:$0x1ED80] =	vst v63  }
0x173: {  	_ = 	snop  }
0x174: {  	[spmem:s3] =	stream.indirect.scatter.add.f32 [tilespmem:s25], [sflag:$0x3], $0x1, s14, s24, $0xb8;
	[tilespmem:$0x1ED80] =	vst v63  }
0x175: {  	_ = 	snop  }
0x176: {  	[spmem:s3] =	stream.indirect.scatter.add.f32 [tilespmem:s25], [sflag:$0x3], $0x1, s15, s24, $0xb8;
	[tilespmem:$0x1ED80] =	vst v63  }
0x177: {  	_ = 	snop  }
0x178: {  	[spmem:s3] =	stream.indirect.scatter.add.f32 [tilespmem:s25], [sflag:$0x3], $0x1, s16, s24, $0xb8;
	[tilespmem:$0x1ED80] =	vst v63  }
0x179: {  	_ = 	snop  }
0x17a: {  	[spmem:s3] =	stream.indirect.scatter.add.f32 [tilespmem:s25], [sflag:$0x3], $0x1, s17, s24, $0xb8;
	[tilespmem:$0x1ED80] =	vst v63  }
0x17b: {  	s4 =	simm.s32 $0x80  }
0x17c: {  	[tilespmem:s26], [sflag:$0x2] =	stream.indirect.gather [hbm4b:s1+s24], $0x80, s4, s24, $0xb8;
	[tilespmem:$0x1ED80] =	vst v63  }
0x17d: {  	_ =	swait.ge [sflag:s22], $0x4000  }
0x17e: {  	[sflag:s22] =	ssyncset.done $0x0  }
0x17f: {  	s5 =	simm.s32 $0x1400;
	[sflag:s22] =	ssyncadd.s32 $0xFFFFC000  }
0x180: {  	[spmem:s2] =	stream.indirect.scatter.add.f32 [tilespmem:s20], [sflag:$0x5], $0x80, s5, s24, $0xb8;
	[tilespmem:$0x1ED80] =	vst v63  }
0x181: {  	_ =	swait.ge [sflag:s18], $0x4000  }
0x182: {  	[sflag:s18] =	ssyncset.done $0x0  }
0x183: {  	s6 =	simm.s32 $0x100;
	[sflag:s18] =	ssyncadd.s32 $0xFFFFC000  }
0x184: {  	[tilespmem:s20], [sflag:$0x1] =	stream.indirect.gather [hbm4b:s1+s24], $0x80, s6, s24, $0xb8;
	[tilespmem:$0x1ED80] =	vst v63  }
0x185: {  	_ =	swait.ge [sflag:s28], $0x4000  }
0x186: {  	[sflag:s28] =	ssyncset.done $0x0  }
0x187: {  	s21 =	simm.s32 $0x1480;
	[sflag:s28] =	ssyncadd.s32 $0xFFFFC000  }
0x188: {  	[spmem:s2] =	stream.indirect.scatter.add.f32 [tilespmem:s26], [sflag:$0x5], $0x80, s21, s24, $0xb8;
	[tilespmem:$0x1ED80] =	vst v63  }
0x189: {  	_ =	swait.ge [sflag:s18], $0x4000  }
0x18a: {  	s0 =	simm.s32 $0x100;
	s21 =	simm.s32 $0x800;
	[sflag:s18] =	ssyncset.done $0x0  }
.LBB2_8:
0x18b: {  	s4 =	sadd.s32 $0x80, s0  }
0x18c: {  	[sflag:s18] =	ssyncadd.s32 $0xFFFFC000;
	s5 =	smov.u32 s21;
	s6 =	sadd.s32 $0x400, s21  }
0x18d: {  	[tilespmem:s26], [sflag:$0x2] =	stream.indirect.gather [hbm4b:s1+s24], $0x80, s4, s24, $0xb8;
	[tilespmem:$0x1ED80] =	vst v63  }
0x18e: {  	p0 =	sne.s32 s21, $0x4800;
	_ =	swait.ge [sflag:s22], $0x4000  }
0x18f: {  	[sflag:s22] =	ssyncset.done $0x0  }
0x190: {  	s4 =	sadd.s32 $0x1400, s0;
	[sflag:s22] =	ssyncadd.s32 $0xFFFFC000  }
0x191: {  	[spmem:s2] =	stream.indirect.scatter.add.f32 [tilespmem:s20], [sflag:$0x5], $0x80, s4, s24, $0xb8;
	[tilespmem:$0x1ED80] =	vst v63  }
0x192: {  	_ =	swait.ge [sflag:s18], $0x4000  }
0x193: {  	[sflag:s18] =	ssyncset.done $0x0  }
0x194: {  	s4 =	sadd.s32 $0x100, s0;
	[sflag:s18] =	ssyncadd.s32 $0xFFFFC000  }
0x195: {  	[tilespmem:s20], [sflag:$0x1] =	stream.indirect.gather [hbm4b:s1+s24], $0x80, s4, s24, $0xb8;
	[tilespmem:$0x1ED80] =	vst v63  }
0x196: {  	_ =	swait.ge [sflag:s28], $0x4000  }
.Ltmp3:
0x197: {  	[sflag:s28] =	ssyncset.done $0x0;
	(pc) =	sbr.rel @p0 .LBB2_8-.Ltmp3, $4  }
0x198: {  	s0 =	sadd.s32 $0x1480, s0;
	[sflag:s28] =	ssyncadd.s32 $0xFFFFC000  }
0x199: {  	[spmem:s2] =	stream.indirect.scatter.add.f32 [tilespmem:s26], [sflag:$0x5], $0x80, s0, s24, $0xb8;
	[tilespmem:$0x1ED80] =	vst v63  }
0x19a: {  	_ =	swait.ge [sflag:s18], $0x4000  }
0x19b: {  	s21 =	smov.u32 s6;
	s0 =	sshra.s32 s5, $0x2;
	[sflag:s18] =	ssyncset.done $0x0  }
0x19c: {  	s4 =	sadd.s32 $0x80, s0;
	[sflag:s18] =	ssyncadd.s32 $0xFFFFC000  }
0x19d: {  	[tilespmem:s26], [sflag:$0x2] =	stream.indirect.gather [hbm4b:s1+s24], $0x80, s4, s24, $0xb8;
	[tilespmem:$0x1ED80] =	vst v63  }
0x19e: {  	_ =	swait.ge [sflag:s22], $0x4000  }
0x19f: {  	[sflag:s22] =	ssyncset.done $0x0  }
0x1a0: {  	s5 =	sadd.s32 $0x1400, s0;
	[sflag:s22] =	ssyncadd.s32 $0xFFFFC000  }
0x1a1: {  	[spmem:s2] =	stream.indirect.scatter.add.f32 [tilespmem:s20], [sflag:$0x5], $0x80, s5, s24, $0xb8;
	[tilespmem:$0x1ED80] =	vst v63  }
0x1a2: {  	_ =	swait.ge [sflag:s18], $0x4000  }
0x1a3: {  	[sflag:s18] =	ssyncset.done $0x0  }
0x1a4: {  	s6 =	sadd.s32 $0x100, s0;
	[sflag:s18] =	ssyncadd.s32 $0xFFFFC000  }
0x1a5: {  	[tilespmem:s20], [sflag:$0x1] =	stream.indirect.gather [hbm4b:s1+s24], $0x80, s6, s24, $0xb8;
	[tilespmem:$0x1ED80] =	vst v63  }
0x1a6: {  	_ =	swait.ge [sflag:s28], $0x4000  }
0x1a7: {  	[sflag:s28] =	ssyncset.done $0x0  }
0x1a8: {  	s21 =	sadd.s32 $0x1480, s0;
	[sflag:s28] =	ssyncadd.s32 $0xFFFFC000  }
0x1a9: {  	[spmem:s2] =	stream.indirect.scatter.add.f32 [tilespmem:s26], [sflag:$0x5], $0x80, s21, s24, $0xb8;
	[tilespmem:$0x1ED80] =	vst v63  }
0x1aa: {  	_ =	swait.ge [sflag:s18], $0x4000  }
0x1ab: {  	[sflag:s18] =	ssyncset.done $0x0  }
0x1ac: {  	[sflag:s18] =	ssyncadd.s32 $0xFFFFC000  }
0x1ad: {  	[tilespmem:s26], [sflag:$0x2] =	stream.indirect.gather [hbm4b:s1+s24], $0x80, s29, s24, $0xb8;
	[tilespmem:$0x1ED80] =	vst v63  }
0x1ae: {  	_ =	swait.ge [sflag:s22], $0x4000  }
0x1af: {  	[sflag:s22] =	ssyncset.done $0x0  }
0x1b0: {  	[sflag:s22] =	ssyncadd.s32 $0xFFFFC000  }
0x1b1: {  	[spmem:s2] =	stream.indirect.scatter.add.f32 [tilespmem:s20], [sflag:$0x5], $0x80, s16, s24, $0xb8;
	[tilespmem:$0x1ED80] =	vst v63  }
0x1b2: {  	_ =	swait.ge [sflag:s18], $0x4000  }
0x1b3: {  	[sflag:s18] =	ssyncset.done $0x0  }
0x1b4: {  	[sflag:s18] =	ssyncadd.s32 $0xFFFFC000  }
0x1b5: {  	_ =	swait.ge [sflag:s28], $0x4000  }
0x1b6: {  	[sflag:s28] =	ssyncset.done $0x0  }
0x1b7: {  	[sflag:s28] =	ssyncadd.s32 $0xFFFFC000  }
0x1b8: {  	[spmem:s2] =	stream.indirect.scatter.add.f32 [tilespmem:s26], [sflag:$0x5], $0x80, s17, s24, $0xb8;
	[tilespmem:$0x1ED80] =	vst v63  }
0x1b9: {  	_ =	swait.ge [sflag:s18], $0x4000  }
0x1ba: {  	[sflag:s18] =	ssyncset.done $0x0  }
0x1bb: {  	[sflag:s18] =	ssyncadd.s32 $0xFFFFC000  }
0x1bc: {  	_ =	swait.ge [sflag:s30], $0x80  }
0x1bd: {  	s0 =	simm.s32 $0x27;
	[sflag:s30] =	ssyncset.done $0x0  }
.LBB2_10:
0x1be: {  	p0 =	sne.s32 s0, $0x1;
	s0 =	sadd.s32 $0xFFFFFFFF, s0;
	[sflag:s30] =	ssyncadd.s32 $0xFFFFFF80  }
.Ltmp4:
0x1bf: {  	(pc) =	sbr.rel @p0 .LBB2_10-.Ltmp4, $3  }
0x1c0: {  	_ =	sdelay $0x1  }
0x1c1: {  	_ =	swait.ge [sflag:s30], $0x80  }
0x1c2: {  	[sflag:s30] =	ssyncset.done $0x0  }
0x1c3: {  	[sflag:s30] =	ssyncadd.s32 $0xFFFFFF80;
	s0 =	stileid.u32  }
0x1c4: {  	s0 =	sshll.u32 s0, $0x6;
	[bflag:$0x0] =	sbarrier.arrive $0xFFFF  }
0x1c5: {  	s4 =	sshrl.u32 s8, $0x3;
	s0 =	sor.u32 $0x1C05, s0;
	s5 =	rddreg [dreg:$0xe]  }
0x1c6: {  	[hbm:s5], [sflag:s0] =	dma.local [spmem:s4], $0x2800  }
0x1c7: {  	_ =	swait.ge [sflag:s18], $0x2800  }
0x1c8: {  	s6 =	simm.s32 $0x20;
	s21 =	simm.s32 $0x10;
	[sflag:s18] =	ssyncset.done $0x0  }
0x1c9: {  	s4 =	sshrl.u32 s13, $0x3;
	s5 =	rddreg [dreg:$0xf];
	[sflag:s18] =	ssyncadd.s32 $0xFFFFD800  }
0x1ca: {  	[hbm:s5@s6], [sflag:s0] =	dma.strided [spmem:s4@s21], $0x50, s22, $0x10   }
0x1cb: {  	_ =	swait.ge [sflag:s18], $0x50  }
0x1cc: {  	s31 =	sadd.s32 $0x1, s31;
	s21 =	rddreg [dreg:$0x10]  }
0x1cd: {  	p0 =	sne.s32 s31, s21  }
.Ltmp5:
0x1ce: {  	_ = 	snop;
	(pc) =	sbr.rel @p0 .LBB2_1-.Ltmp5, $3  }
0x1cf: {  	_ =	sdelay $0x1  }
0x1d0: {  	[sflag:s18] =	ssyncset.done $0x0  }
0x1d1: {  	[sflag:s18] =	ssyncadd.s32 $0xFFFFFFB0  }
0x1d2: {  	_ =	sfence.sel $0x180000  }
0x1d3: {  	[bflag:$0x0] =	sbarrier.arrive $0xFFFF  }
0x1d4: {  	_ =	strace $0x90000047  }
0x1d5: {  	s0 =	stileid.u32;
	[bflag:$0x2] =	sbarrier.arrive $0xFFFF  }
0x1d6: {  	p0 =	sne.s32 s0, $0x0;
	s0 =	rddreg [dreg:$0x5]  }
0x1d7: {  	s0 =	sadd.s32 @!p0 $0x100000, s0  }
0x1d8: {  	[sflag:s0] =	ssyncadd.tile.s32 @!p0 $0x1;
	_ =	shalt  }
.Lfunc_end2:
_tile_overlayer_lowered:
.L_overlay_start_2:
0x1d9: {  	(tag) =	ssettag $0x2  }
0x1da: {  	s0 =	rddreg [dreg:$0x0];
	s2 =	stileid.u32  }
0x1db: {  	s1 =	rddreg [dreg:$0x1];
	p0 =	sne.s32 s2, $0x0  }
0x1dc: {  	s3 =	rddreg [dreg:$0x2];
	[bflag:$0x3] =	sbarrier.arrive $0xFFFF;
	s2 =	simm.s32 @!p0 $0x1C05  }
0x1dd: {  	[timem:s3], [sflag:s2] =	dma.local @!p0 [hbm:s0], s1  }
0x1de: {  	s0 =	simm.s32 @!p0 $0x5  }
0x1df: {  	_ =	swait.ge @!p0 [sflag:s0], s1  }
0x1e0: {  	s1 =	ssub.s32 @!p0 $0x0, s1;
	[sflag:s0] =	ssyncset.done @!p0 $0x0  }
0x1e1: {  	[sflag:s0] =	ssyncadd.s32 @!p0 s1  }
0x1e2: {  	[bflag:$0x3] =	sbarrier.arrive $0xFFFF  }
0x1e3: {  	_ =	shalt  }

</sc_bundles>
